<compile_context>
chip_gen: v7x
topology: tpu7x:2x2x1
jax: 0.10.2.dev20260603
libtpu: 0.0.44.dev20260713+nightly
codegen_flags: <defaults>
</compile_context>

<pallas_src>
import functools
import jax
import jax.numpy as jnp
from jax import lax
from jax.experimental import pallas as pl
from jax.experimental.pallas import tpu as pltpu
from jax.experimental.pallas import tpu_sc as plsc

VOCAB = 100000
EMBED_DIM = 128
BATCH = 4096
SEQ = 50
TOT = BATCH * SEQ

_NC, _NS = 2, 16
NW = _NC * _NS
PER_W = TOT // NW
CHUNK = 400
NSTEP = PER_W // CHUNK


@functools.partial(
    pl.kernel,
    mesh=plsc.VectorSubcoreMesh(core_axis_name="c", subcore_axis_name="s"),
    out_type=jax.ShapeDtypeStruct((TOT, EMBED_DIM), jnp.float32),
    scratch_types=[
        pltpu.VMEM((PER_W,), jnp.int32),
        pltpu.VMEM((CHUNK, EMBED_DIM), jnp.float32),
        pltpu.VMEM((CHUNK, EMBED_DIM), jnp.float32),
        pltpu.SemaphoreType.DMA,
        pltpu.SemaphoreType.DMA,
        pltpu.SemaphoreType.DMA,
        pltpu.SemaphoreType.DMA,
    ],
)
def _gather_kernel(idx_hbm, table_hbm, out_hbm,
                   idxv, rows0, rows1, si, sg0, sg1, so0):
    wid = lax.axis_index("s") * _NC + lax.axis_index("c")
    base = wid * PER_W
    rows = [rows0, rows1]
    sg = [sg0, sg1]

    def gather_cp(i):
        b = i % 2
        return pltpu.make_async_copy(
            table_hbm.at[idxv.at[pl.ds(i * CHUNK, CHUNK)]], rows[b], sg[b])

    def out_cp(i):
        b = i % 2
        return pltpu.make_async_copy(
            rows[b], out_hbm.at[pl.ds(base + i * CHUNK, CHUNK)], so0)

    pltpu.make_async_copy(idx_hbm.at[pl.ds(base, PER_W)], idxv, si).start()
    pltpu.make_async_copy(idx_hbm.at[pl.ds(base, PER_W)], idxv, si).wait()
    gather_cp(0).start()
    for i in range(NSTEP):
        gather_cp(i).wait()
        if i + 1 < NSTEP:
            if i >= 1:
                out_cp(i - 1).wait()
            gather_cp(i + 1).start()
        out_cp(i).start()
    out_cp(NSTEP - 2).wait()
    out_cp(NSTEP - 1).wait()


def kernel(sentences, table):
    idx = sentences.T.reshape(TOT).astype(jnp.int32)
    out = _gather_kernel(idx, table)
    return out.reshape(SEQ, BATCH, EMBED_DIM).transpose(1, 0, 2)

# --- scband reference (transcript-rebuilt; emitter-appended) ---
"""Pipeline reference for scband-word-embeddings-50130858279137 (READ-ONLY COPY).

The authoritative reference and input builder live on the scoring server;
editing this copy changes nothing except your own understanding.
"""

import jax, jax.numpy as jnp
import numpy as np

VOCAB = 100000
EMBED_DIM = 128
BATCH = 4096
SEQ = 50

def setup_inputs(seed: int = 0) -> dict:
    key = jax.random.key(seed)
    k1, k2 = jax.random.split(key)
    sentences = jax.random.randint(k1, (BATCH, SEQ), 0, VOCAB, dtype=jnp.int64 if jax.config.jax_enable_x64 else jnp.int32)
    table = jax.random.normal(k2, (VOCAB, EMBED_DIM), dtype=jnp.float32) * 0.02
    return {"sentences": sentences, "table": table}

def reference(sentences, table):
    # WordEmbeddings.embed_sentences: self.word_embedding(sentences)
    # nn.Embedding lookup == row gather from the embedding table.
    embeddings = jnp.take(table, sentences, axis=0)
    return embeddings

if __name__ == "__main__":
    import jax
    _d = setup_inputs()
    print(jax.jit(kernel)(*tuple(_d.values())))

</pallas_src>

<mosaic_0001>
#map = affine_map<(d0, d1) -> (0)>
#map1 = affine_map<(d0, d1) -> (0, 0)>
module attributes {stable_mosaic.version = 14 : i64} {
  func.func @_gather_kernel(%arg0: i32, %arg1: i32, %arg2: memref<204800xi32, #tpu.memory_space<hbm>>, %arg3: memref<100000x128xf32, #tpu.memory_space<hbm>>, %arg4: memref<204800x128xf32, #tpu.memory_space<hbm>>, %arg5: memref<6400xi32, #tpu.memory_space<vmem>>, %arg6: memref<400x128xf32, #tpu.memory_space<vmem>>, %arg7: memref<400x128xf32, #tpu.memory_space<vmem>>, %arg8: memref<!tpu.dma_semaphore, #tpu.memory_space<semaphore_mem>>, %arg9: memref<!tpu.dma_semaphore, #tpu.memory_space<semaphore_mem>>, %arg10: memref<!tpu.dma_semaphore, #tpu.memory_space<semaphore_mem>>, %arg11: memref<!tpu.dma_semaphore, #tpu.memory_space<semaphore_mem>>) attributes {dimension_semantics = [#tpu.dimension_semantics<core_parallel>, #tpu.dimension_semantics<subcore_parallel>], iteration_bounds = array<i64: 2, 16>, scalar_prefetch = 0 : i64, scratch_operands = 7 : i64, tpu.core_type = #tpu.core_type<sc_vector_subcore>, window_params = [{transform_indices = #map}, {transform_indices = #map1}, {transform_indices = #map1}]} {
    %mul3A = arith.constant 2 : i32
    %mul3A_0 = arith.muli %arg1, %mul3A : i32
    %add3A = arith.addi %mul3A_0, %arg0 : i32
    %mul3A_1 = arith.constant 6400 : i32
    %mul3A_2 = arith.muli %add3A, %mul3A_1 : i32
    %dma_start3A = tpu.memref_slice %arg2[%mul3A_2] : memref<204800xi32, #tpu.memory_space<hbm>> -> memref<6400xi32, #tpu.memory_space<hbm>>
    %dma_start3A_3 = tpu.memref_slice %arg2[%mul3A_2] : memref<204800xi32, #tpu.memory_space<hbm>> -> memref<6400xi32, #tpu.memory_space<hbm>>
    tpu.enqueue_dma source(%dma_start3A_3 : memref<6400xi32, #tpu.memory_space<hbm>>) target(%arg5 : memref<6400xi32, #tpu.memory_space<vmem>>) target_semaphore(%arg8 : memref<!tpu.dma_semaphore, #tpu.memory_space<semaphore_mem>>)
    %dma_wait3A = tpu.memref_slice %arg2[%mul3A_2] : memref<204800xi32, #tpu.memory_space<hbm>> -> memref<6400xi32, #tpu.memory_space<hbm>>
    %dma_wait3A_4 = tpu.memref_slice %arg2[%mul3A_2] : memref<204800xi32, #tpu.memory_space<hbm>> -> memref<6400xi32, #tpu.memory_space<hbm>>
    tpu.wait_dma2 semaphore(%arg8 : memref<!tpu.dma_semaphore, #tpu.memory_space<semaphore_mem>>) src(%dma_wait3A_4 : memref<6400xi32, #tpu.memory_space<hbm>>) dst(%arg5 : memref<6400xi32, #tpu.memory_space<vmem>>)
    %dma_start3A_5 = arith.constant 0 : i32
    %dma_start3A_6 = tpu.memref_slice %arg5[%dma_start3A_5] : memref<6400xi32, #tpu.memory_space<vmem>> -> memref<400xi32, #tpu.memory_space<vmem>>
    %dma_start3A_7 = arith.constant 0 : i32
    %dma_start3A_8 = arith.constant 0 : i32
    %dma_start3A_9 = tpu.memref_slice %arg3[%dma_start3A_7, %dma_start3A_8] : memref<100000x128xf32, #tpu.memory_space<hbm>> -> memref<100000x128xf32, #tpu.memory_space<hbm>>
    tpu.enqueue_indirect_dma source(%dma_start3A_9 : memref<100000x128xf32, #tpu.memory_space<hbm>>) target(%arg6 : memref<400x128xf32, #tpu.memory_space<vmem>>) offsets(%dma_start3A_6 : memref<400xi32, #tpu.memory_space<vmem>>) semaphore(%arg9 : memref<!tpu.dma_semaphore, #tpu.memory_space<semaphore_mem>>)
    %dma_wait3A_10 = arith.constant 0 : i32
    %dma_wait3A_11 = tpu.memref_slice %arg5[%dma_wait3A_10] : memref<6400xi32, #tpu.memory_space<vmem>> -> memref<400xi32, #tpu.memory_space<vmem>>
    %dma_wait3A_12 = arith.constant 0 : i32
    %dma_wait3A_13 = arith.constant 0 : i32
    %dma_wait3A_14 = tpu.memref_slice %arg3[%dma_wait3A_12, %dma_wait3A_13] : memref<100000x128xf32, #tpu.memory_space<hbm>> -> memref<100000x128xf32, #tpu.memory_space<hbm>>
    tpu.wait_indirect_dma semaphore(%arg9 : memref<!tpu.dma_semaphore, #tpu.memory_space<semaphore_mem>>) src(%dma_wait3A_14 : memref<100000x128xf32, #tpu.memory_space<hbm>>) dst(%arg6 : memref<400x128xf32, #tpu.memory_space<vmem>>)
    %dma_start3A_15 = arith.constant 400 : i32
    %dma_start3A_16 = tpu.memref_slice %arg5[%dma_start3A_15] : memref<6400xi32, #tpu.memory_space<vmem>> -> memref<400xi32, #tpu.memory_space<vmem>>
    %dma_start3A_17 = arith.constant 0 : i32
    %dma_start3A_18 = arith.constant 0 : i32
    %dma_start3A_19 = tpu.memref_slice %arg3[%dma_start3A_17, %dma_start3A_18] : memref<100000x128xf32, #tpu.memory_space<hbm>> -> memref<100000x128xf32, #tpu.memory_space<hbm>>
    tpu.enqueue_indirect_dma source(%dma_start3A_19 : memref<100000x128xf32, #tpu.memory_space<hbm>>) target(%arg7 : memref<400x128xf32, #tpu.memory_space<vmem>>) offsets(%dma_start3A_16 : memref<400xi32, #tpu.memory_space<vmem>>) semaphore(%arg10 : memref<!tpu.dma_semaphore, #tpu.memory_space<semaphore_mem>>)
    %add3A_20 = arith.constant 0 : i32
    %add3A_21 = arith.addi %mul3A_2, %add3A_20 : i32
    %dma_start3A_22 = arith.constant 0 : i32
    %dma_start3A_23 = tpu.memref_slice %arg4[%add3A_21, %dma_start3A_22] : memref<204800x128xf32, #tpu.memory_space<hbm>> -> memref<400x128xf32, #tpu.memory_space<hbm>>
    %dma_start3A_24 = arith.constant 0 : i32
    %dma_start3A_25 = tpu.memref_slice %arg4[%add3A_21, %dma_start3A_24] : memref<204800x128xf32, #tpu.memory_space<hbm>> -> memref<400x128xf32, #tpu.memory_space<hbm>>
    tpu.enqueue_dma source(%arg6 : memref<400x128xf32, #tpu.memory_space<vmem>>) target(%dma_start3A_25 : memref<400x128xf32, #tpu.memory_space<hbm>>) target_semaphore(%arg11 : memref<!tpu.dma_semaphore, #tpu.memory_space<semaphore_mem>>)
    %dma_wait3A_26 = arith.constant 400 : i32
    %dma_wait3A_27 = tpu.memref_slice %arg5[%dma_wait3A_26] : memref<6400xi32, #tpu.memory_space<vmem>> -> memref<400xi32, #tpu.memory_space<vmem>>
    %dma_wait3A_28 = arith.constant 0 : i32
    %dma_wait3A_29 = arith.constant 0 : i32
    %dma_wait3A_30 = tpu.memref_slice %arg3[%dma_wait3A_28, %dma_wait3A_29] : memref<100000x128xf32, #tpu.memory_space<hbm>> -> memref<100000x128xf32, #tpu.memory_space<hbm>>
    tpu.wait_indirect_dma semaphore(%arg10 : memref<!tpu.dma_semaphore, #tpu.memory_space<semaphore_mem>>) src(%dma_wait3A_30 : memref<100000x128xf32, #tpu.memory_space<hbm>>) dst(%arg7 : memref<400x128xf32, #tpu.memory_space<vmem>>)
    %add3A_31 = arith.constant 0 : i32
    %add3A_32 = arith.addi %mul3A_2, %add3A_31 : i32
    %dma_wait3A_33 = arith.constant 0 : i32
    %dma_wait3A_34 = tpu.memref_slice %arg4[%add3A_32, %dma_wait3A_33] : memref<204800x128xf32, #tpu.memory_space<hbm>> -> memref<400x128xf32, #tpu.memory_space<hbm>>
    %dma_wait3A_35 = arith.constant 0 : i32
    %dma_wait3A_36 = tpu.memref_slice %arg4[%add3A_32, %dma_wait3A_35] : memref<204800x128xf32, #tpu.memory_space<hbm>> -> memref<400x128xf32, #tpu.memory_space<hbm>>
    tpu.wait_dma2 semaphore(%arg11 : memref<!tpu.dma_semaphore, #tpu.memory_space<semaphore_mem>>) src(%arg6 : memref<400x128xf32, #tpu.memory_space<vmem>>) dst(%dma_wait3A_36 : memref<400x128xf32, #tpu.memory_space<hbm>>)
    %dma_start3A_37 = arith.constant 800 : i32
    %dma_start3A_38 = tpu.memref_slice %arg5[%dma_start3A_37] : memref<6400xi32, #tpu.memory_space<vmem>> -> memref<400xi32, #tpu.memory_space<vmem>>
    %dma_start3A_39 = arith.constant 0 : i32
    %dma_start3A_40 = arith.constant 0 : i32
    %dma_start3A_41 = tpu.memref_slice %arg3[%dma_start3A_39, %dma_start3A_40] : memref<100000x128xf32, #tpu.memory_space<hbm>> -> memref<100000x128xf32, #tpu.memory_space<hbm>>
    tpu.enqueue_indirect_dma source(%dma_start3A_41 : memref<100000x128xf32, #tpu.memory_space<hbm>>) target(%arg6 : memref<400x128xf32, #tpu.memory_space<vmem>>) offsets(%dma_start3A_38 : memref<400xi32, #tpu.memory_space<vmem>>) semaphore(%arg9 : memref<!tpu.dma_semaphore, #tpu.memory_space<semaphore_mem>>)
    %add3A_42 = arith.constant 400 : i32
    %add3A_43 = arith.addi %mul3A_2, %add3A_42 : i32
    %dma_start3A_44 = arith.constant 0 : i32
    %dma_start3A_45 = tpu.memref_slice %arg4[%add3A_43, %dma_start3A_44] : memref<204800x128xf32, #tpu.memory_space<hbm>> -> memref<400x128xf32, #tpu.memory_space<hbm>>
    %dma_start3A_46 = arith.constant 0 : i32
    %dma_start3A_47 = tpu.memref_slice %arg4[%add3A_43, %dma_start3A_46] : memref<204800x128xf32, #tpu.memory_space<hbm>> -> memref<400x128xf32, #tpu.memory_space<hbm>>
    tpu.enqueue_dma source(%arg7 : memref<400x128xf32, #tpu.memory_space<vmem>>) target(%dma_start3A_47 : memref<400x128xf32, #tpu.memory_space<hbm>>) target_semaphore(%arg11 : memref<!tpu.dma_semaphore, #tpu.memory_space<semaphore_mem>>)
    %dma_wait3A_48 = arith.constant 800 : i32
    %dma_wait3A_49 = tpu.memref_slice %arg5[%dma_wait3A_48] : memref<6400xi32, #tpu.memory_space<vmem>> -> memref<400xi32, #tpu.memory_space<vmem>>
    %dma_wait3A_50 = arith.constant 0 : i32
    %dma_wait3A_51 = arith.constant 0 : i32
    %dma_wait3A_52 = tpu.memref_slice %arg3[%dma_wait3A_50, %dma_wait3A_51] : memref<100000x128xf32, #tpu.memory_space<hbm>> -> memref<100000x128xf32, #tpu.memory_space<hbm>>
    tpu.wait_indirect_dma semaphore(%arg9 : memref<!tpu.dma_semaphore, #tpu.memory_space<semaphore_mem>>) src(%dma_wait3A_52 : memref<100000x128xf32, #tpu.memory_space<hbm>>) dst(%arg6 : memref<400x128xf32, #tpu.memory_space<vmem>>)
    %add3A_53 = arith.constant 400 : i32
    %add3A_54 = arith.addi %mul3A_2, %add3A_53 : i32
    %dma_wait3A_55 = arith.constant 0 : i32
    %dma_wait3A_56 = tpu.memref_slice %arg4[%add3A_54, %dma_wait3A_55] : memref<204800x128xf32, #tpu.memory_space<hbm>> -> memref<400x128xf32, #tpu.memory_space<hbm>>
    %dma_wait3A_57 = arith.constant 0 : i32
    %dma_wait3A_58 = tpu.memref_slice %arg4[%add3A_54, %dma_wait3A_57] : memref<204800x128xf32, #tpu.memory_space<hbm>> -> memref<400x128xf32, #tpu.memory_space<hbm>>
    tpu.wait_dma2 semaphore(%arg11 : memref<!tpu.dma_semaphore, #tpu.memory_space<semaphore_mem>>) src(%arg7 : memref<400x128xf32, #tpu.memory_space<vmem>>) dst(%dma_wait3A_58 : memref<400x128xf32, #tpu.memory_space<hbm>>)
    %dma_start3A_59 = arith.constant 1200 : i32
    %dma_start3A_60 = tpu.memref_slice %arg5[%dma_start3A_59] : memref<6400xi32, #tpu.memory_space<vmem>> -> memref<400xi32, #tpu.memory_space<vmem>>
    %dma_start3A_61 = arith.constant 0 : i32
    %dma_start3A_62 = arith.constant 0 : i32
    %dma_start3A_63 = tpu.memref_slice %arg3[%dma_start3A_61, %dma_start3A_62] : memref<100000x128xf32, #tpu.memory_space<hbm>> -> memref<100000x128xf32, #tpu.memory_space<hbm>>
    tpu.enqueue_indirect_dma source(%dma_start3A_63 : memref<100000x128xf32, #tpu.memory_space<hbm>>) target(%arg7 : memref<400x128xf32, #tpu.memory_space<vmem>>) offsets(%dma_start3A_60 : memref<400xi32, #tpu.memory_space<vmem>>) semaphore(%arg10 : memref<!tpu.dma_semaphore, #tpu.memory_space<semaphore_mem>>)
    %add3A_64 = arith.constant 800 : i32
    %add3A_65 = arith.addi %mul3A_2, %add3A_64 : i32
    %dma_start3A_66 = arith.constant 0 : i32
    %dma_start3A_67 = tpu.memref_slice %arg4[%add3A_65, %dma_start3A_66] : memref<204800x128xf32, #tpu.memory_space<hbm>> -> memref<400x128xf32, #tpu.memory_space<hbm>>
    %dma_start3A_68 = arith.constant 0 : i32
    %dma_start3A_69 = tpu.memref_slice %arg4[%add3A_65, %dma_start3A_68] : memref<204800x128xf32, #tpu.memory_space<hbm>> -> memref<400x128xf32, #tpu.memory_space<hbm>>
    tpu.enqueue_dma source(%arg6 : memref<400x128xf32, #tpu.memory_space<vmem>>) target(%dma_start3A_69 : memref<400x128xf32, #tpu.memory_space<hbm>>) target_semaphore(%arg11 : memref<!tpu.dma_semaphore, #tpu.memory_space<semaphore_mem>>)
    %dma_wait3A_70 = arith.constant 1200 : i32
    %dma_wait3A_71 = tpu.memref_slice %arg5[%dma_wait3A_70] : memref<6400xi32, #tpu.memory_space<vmem>> -> memref<400xi32, #tpu.memory_space<vmem>>
    %dma_wait3A_72 = arith.constant 0 : i32
    %dma_wait3A_73 = arith.constant 0 : i32
    %dma_wait3A_74 = tpu.memref_slice %arg3[%dma_wait3A_72, %dma_wait3A_73] : memref<100000x128xf32, #tpu.memory_space<hbm>> -> memref<100000x128xf32, #tpu.memory_space<hbm>>
    tpu.wait_indirect_dma semaphore(%arg10 : memref<!tpu.dma_semaphore, #tpu.memory_space<semaphore_mem>>) src(%dma_wait3A_74 : memref<100000x128xf32, #tpu.memory_space<hbm>>) dst(%arg7 : memref<400x128xf32, #tpu.memory_space<vmem>>)
    %add3A_75 = arith.constant 800 : i32
    %add3A_76 = arith.addi %mul3A_2, %add3A_75 : i32
    %dma_wait3A_77 = arith.constant 0 : i32
    %dma_wait3A_78 = tpu.memref_slice %arg4[%add3A_76, %dma_wait3A_77] : memref<204800x128xf32, #tpu.memory_space<hbm>> -> memref<400x128xf32, #tpu.memory_space<hbm>>
    %dma_wait3A_79 = arith.constant 0 : i32
    %dma_wait3A_80 = tpu.memref_slice %arg4[%add3A_76, %dma_wait3A_79] : memref<204800x128xf32, #tpu.memory_space<hbm>> -> memref<400x128xf32, #tpu.memory_space<hbm>>
    tpu.wait_dma2 semaphore(%arg11 : memref<!tpu.dma_semaphore, #tpu.memory_space<semaphore_mem>>) src(%arg6 : memref<400x128xf32, #tpu.memory_space<vmem>>) dst(%dma_wait3A_80 : memref<400x128xf32, #tpu.memory_space<hbm>>)
    %dma_start3A_81 = arith.constant 1600 : i32
    %dma_start3A_82 = tpu.memref_slice %arg5[%dma_start3A_81] : memref<6400xi32, #tpu.memory_space<vmem>> -> memref<400xi32, #tpu.memory_space<vmem>>
    %dma_start3A_83 = arith.constant 0 : i32
    %dma_start3A_84 = arith.constant 0 : i32
    %dma_start3A_85 = tpu.memref_slice %arg3[%dma_start3A_83, %dma_start3A_84] : memref<100000x128xf32, #tpu.memory_space<hbm>> -> memref<100000x128xf32, #tpu.memory_space<hbm>>
    tpu.enqueue_indirect_dma source(%dma_start3A_85 : memref<100000x128xf32, #tpu.memory_space<hbm>>) target(%arg6 : memref<400x128xf32, #tpu.memory_space<vmem>>) offsets(%dma_start3A_82 : memref<400xi32, #tpu.memory_space<vmem>>) semaphore(%arg9 : memref<!tpu.dma_semaphore, #tpu.memory_space<semaphore_mem>>)
    %add3A_86 = arith.constant 1200 : i32
    %add3A_87 = arith.addi %mul3A_2, %add3A_86 : i32
    %dma_start3A_88 = arith.constant 0 : i32
    %dma_start3A_89 = tpu.memref_slice %arg4[%add3A_87, %dma_start3A_88] : memref<204800x128xf32, #tpu.memory_space<hbm>> -> memref<400x128xf32, #tpu.memory_space<hbm>>
    %dma_start3A_90 = arith.constant 0 : i32
    %dma_start3A_91 = tpu.memref_slice %arg4[%add3A_87, %dma_start3A_90] : memref<204800x128xf32, #tpu.memory_space<hbm>> -> memref<400x128xf32, #tpu.memory_space<hbm>>
    tpu.enqueue_dma source(%arg7 : memref<400x128xf32, #tpu.memory_space<vmem>>) target(%dma_start3A_91 : memref<400x128xf32, #tpu.memory_space<hbm>>) target_semaphore(%arg11 : memref<!tpu.dma_semaphore, #tpu.memory_space<semaphore_mem>>)
    %dma_wait3A_92 = arith.constant 1600 : i32
    %dma_wait3A_93 = tpu.memref_slice %arg5[%dma_wait3A_92] : memref<6400xi32, #tpu.memory_space<vmem>> -> memref<400xi32, #tpu.memory_space<vmem>>
    %dma_wait3A_94 = arith.constant 0 : i32
    %dma_wait3A_95 = arith.constant 0 : i32
    %dma_wait3A_96 = tpu.memref_slice %arg3[%dma_wait3A_94, %dma_wait3A_95] : memref<100000x128xf32, #tpu.memory_space<hbm>> -> memref<100000x128xf32, #tpu.memory_space<hbm>>
    tpu.wait_indirect_dma semaphore(%arg9 : memref<!tpu.dma_semaphore, #tpu.memory_space<semaphore_mem>>) src(%dma_wait3A_96 : memref<100000x128xf32, #tpu.memory_space<hbm>>) dst(%arg6 : memref<400x128xf32, #tpu.memory_space<vmem>>)
    %add3A_97 = arith.constant 1200 : i32
    %add3A_98 = arith.addi %mul3A_2, %add3A_97 : i32
    %dma_wait3A_99 = arith.constant 0 : i32
    %dma_wait3A_100 = tpu.memref_slice %arg4[%add3A_98, %dma_wait3A_99] : memref<204800x128xf32, #tpu.memory_space<hbm>> -> memref<400x128xf32, #tpu.memory_space<hbm>>
    %dma_wait3A_101 = arith.constant 0 : i32
    %dma_wait3A_102 = tpu.memref_slice %arg4[%add3A_98, %dma_wait3A_101] : memref<204800x128xf32, #tpu.memory_space<hbm>> -> memref<400x128xf32, #tpu.memory_space<hbm>>
    tpu.wait_dma2 semaphore(%arg11 : memref<!tpu.dma_semaphore, #tpu.memory_space<semaphore_mem>>) src(%arg7 : memref<400x128xf32, #tpu.memory_space<vmem>>) dst(%dma_wait3A_102 : memref<400x128xf32, #tpu.memory_space<hbm>>)
    %dma_start3A_103 = arith.constant 2000 : i32
    %dma_start3A_104 = tpu.memref_slice %arg5[%dma_start3A_103] : memref<6400xi32, #tpu.memory_space<vmem>> -> memref<400xi32, #tpu.memory_space<vmem>>
    %dma_start3A_105 = arith.constant 0 : i32
    %dma_start3A_106 = arith.constant 0 : i32
    %dma_start3A_107 = tpu.memref_slice %arg3[%dma_start3A_105, %dma_start3A_106] : memref<100000x128xf32, #tpu.memory_space<hbm>> -> memref<100000x128xf32, #tpu.memory_space<hbm>>
    tpu.enqueue_indirect_dma source(%dma_start3A_107 : memref<100000x128xf32, #tpu.memory_space<hbm>>) target(%arg7 : memref<400x128xf32, #tpu.memory_space<vmem>>) offsets(%dma_start3A_104 : memref<400xi32, #tpu.memory_space<vmem>>) semaphore(%arg10 : memref<!tpu.dma_semaphore, #tpu.memory_space<semaphore_mem>>)
    %add3A_108 = arith.constant 1600 : i32
    %add3A_109 = arith.addi %mul3A_2, %add3A_108 : i32
    %dma_start3A_110 = arith.constant 0 : i32
    %dma_start3A_111 = tpu.memref_slice %arg4[%add3A_109, %dma_start3A_110] : memref<204800x128xf32, #tpu.memory_space<hbm>> -> memref<400x128xf32, #tpu.memory_space<hbm>>
    %dma_start3A_112 = arith.constant 0 : i32
    %dma_start3A_113 = tpu.memref_slice %arg4[%add3A_109, %dma_start3A_112] : memref<204800x128xf32, #tpu.memory_space<hbm>> -> memref<400x128xf32, #tpu.memory_space<hbm>>
    tpu.enqueue_dma source(%arg6 : memref<400x128xf32, #tpu.memory_space<vmem>>) target(%dma_start3A_113 : memref<400x128xf32, #tpu.memory_space<hbm>>) target_semaphore(%arg11 : memref<!tpu.dma_semaphore, #tpu.memory_space<semaphore_mem>>)
    %dma_wait3A_114 = arith.constant 2000 : i32
    %dma_wait3A_115 = tpu.memref_slice %arg5[%dma_wait3A_114] : memref<6400xi32, #tpu.memory_space<vmem>> -> memref<400xi32, #tpu.memory_space<vmem>>
    %dma_wait3A_116 = arith.constant 0 : i32
    %dma_wait3A_117 = arith.constant 0 : i32
    %dma_wait3A_118 = tpu.memref_slice %arg3[%dma_wait3A_116, %dma_wait3A_117] : memref<100000x128xf32, #tpu.memory_space<hbm>> -> memref<100000x128xf32, #tpu.memory_space<hbm>>
    tpu.wait_indirect_dma semaphore(%arg10 : memref<!tpu.dma_semaphore, #tpu.memory_space<semaphore_mem>>) src(%dma_wait3A_118 : memref<100000x128xf32, #tpu.memory_space<hbm>>) dst(%arg7 : memref<400x128xf32, #tpu.memory_space<vmem>>)
    %add3A_119 = arith.constant 1600 : i32
    %add3A_120 = arith.addi %mul3A_2, %add3A_119 : i32
    %dma_wait3A_121 = arith.constant 0 : i32
    %dma_wait3A_122 = tpu.memref_slice %arg4[%add3A_120, %dma_wait3A_121] : memref<204800x128xf32, #tpu.memory_space<hbm>> -> memref<400x128xf32, #tpu.memory_space<hbm>>
    %dma_wait3A_123 = arith.constant 0 : i32
    %dma_wait3A_124 = tpu.memref_slice %arg4[%add3A_120, %dma_wait3A_123] : memref<204800x128xf32, #tpu.memory_space<hbm>> -> memref<400x128xf32, #tpu.memory_space<hbm>>
    tpu.wait_dma2 semaphore(%arg11 : memref<!tpu.dma_semaphore, #tpu.memory_space<semaphore_mem>>) src(%arg6 : memref<400x128xf32, #tpu.memory_space<vmem>>) dst(%dma_wait3A_124 : memref<400x128xf32, #tpu.memory_space<hbm>>)
    %dma_start3A_125 = arith.constant 2400 : i32
    %dma_start3A_126 = tpu.memref_slice %arg5[%dma_start3A_125] : memref<6400xi32, #tpu.memory_space<vmem>> -> memref<400xi32, #tpu.memory_space<vmem>>
    %dma_start3A_127 = arith.constant 0 : i32
    %dma_start3A_128 = arith.constant 0 : i32
    %dma_start3A_129 = tpu.memref_slice %arg3[%dma_start3A_127, %dma_start3A_128] : memref<100000x128xf32, #tpu.memory_space<hbm>> -> memref<100000x128xf32, #tpu.memory_space<hbm>>
    tpu.enqueue_indirect_dma source(%dma_start3A_129 : memref<100000x128xf32, #tpu.memory_space<hbm>>) target(%arg6 : memref<400x128xf32, #tpu.memory_space<vmem>>) offsets(%dma_start3A_126 : memref<400xi32, #tpu.memory_space<vmem>>) semaphore(%arg9 : memref<!tpu.dma_semaphore, #tpu.memory_space<semaphore_mem>>)
    %add3A_130 = arith.constant 2000 : i32
    %add3A_131 = arith.addi %mul3A_2, %add3A_130 : i32
    %dma_start3A_132 = arith.constant 0 : i32
    %dma_start3A_133 = tpu.memref_slice %arg4[%add3A_131, %dma_start3A_132] : memref<204800x128xf32, #tpu.memory_space<hbm>> -> memref<400x128xf32, #tpu.memory_space<hbm>>
    %dma_start3A_134 = arith.constant 0 : i32
    %dma_start3A_135 = tpu.memref_slice %arg4[%add3A_131, %dma_start3A_134] : memref<204800x128xf32, #tpu.memory_space<hbm>> -> memref<400x128xf32, #tpu.memory_space<hbm>>
    tpu.enqueue_dma source(%arg7 : memref<400x128xf32, #tpu.memory_space<vmem>>) target(%dma_start3A_135 : memref<400x128xf32, #tpu.memory_space<hbm>>) target_semaphore(%arg11 : memref<!tpu.dma_semaphore, #tpu.memory_space<semaphore_mem>>)
    %dma_wait3A_136 = arith.constant 2400 : i32
    %dma_wait3A_137 = tpu.memref_slice %arg5[%dma_wait3A_136] : memref<6400xi32, #tpu.memory_space<vmem>> -> memref<400xi32, #tpu.memory_space<vmem>>
    %dma_wait3A_138 = arith.constant 0 : i32
    %dma_wait3A_139 = arith.constant 0 : i32
    %dma_wait3A_140 = tpu.memref_slice %arg3[%dma_wait3A_138, %dma_wait3A_139] : memref<100000x128xf32, #tpu.memory_space<hbm>> -> memref<100000x128xf32, #tpu.memory_space<hbm>>
    tpu.wait_indirect_dma semaphore(%arg9 : memref<!tpu.dma_semaphore, #tpu.memory_space<semaphore_mem>>) src(%dma_wait3A_140 : memref<100000x128xf32, #tpu.memory_space<hbm>>) dst(%arg6 : memref<400x128xf32, #tpu.memory_space<vmem>>)
    %add3A_141 = arith.constant 2000 : i32
    %add3A_142 = arith.addi %mul3A_2, %add3A_141 : i32
    %dma_wait3A_143 = arith.constant 0 : i32
    %dma_wait3A_144 = tpu.memref_slice %arg4[%add3A_142, %dma_wait3A_143] : memref<204800x128xf32, #tpu.memory_space<hbm>> -> memref<400x128xf32, #tpu.memory_space<hbm>>
    %dma_wait3A_145 = arith.constant 0 : i32
    %dma_wait3A_146 = tpu.memref_slice %arg4[%add3A_142, %dma_wait3A_145] : memref<204800x128xf32, #tpu.memory_space<hbm>> -> memref<400x128xf32, #tpu.memory_space<hbm>>
    tpu.wait_dma2 semaphore(%arg11 : memref<!tpu.dma_semaphore, #tpu.memory_space<semaphore_mem>>) src(%arg7 : memref<400x128xf32, #tpu.memory_space<vmem>>) dst(%dma_wait3A_146 : memref<400x128xf32, #tpu.memory_space<hbm>>)
    %dma_start3A_147 = arith.constant 2800 : i32
    %dma_start3A_148 = tpu.memref_slice %arg5[%dma_start3A_147] : memref<6400xi32, #tpu.memory_space<vmem>> -> memref<400xi32, #tpu.memory_space<vmem>>
    %dma_start3A_149 = arith.constant 0 : i32
    %dma_start3A_150 = arith.constant 0 : i32
    %dma_start3A_151 = tpu.memref_slice %arg3[%dma_start3A_149, %dma_start3A_150] : memref<100000x128xf32, #tpu.memory_space<hbm>> -> memref<100000x128xf32, #tpu.memory_space<hbm>>
    tpu.enqueue_indirect_dma source(%dma_start3A_151 : memref<100000x128xf32, #tpu.memory_space<hbm>>) target(%arg7 : memref<400x128xf32, #tpu.memory_space<vmem>>) offsets(%dma_start3A_148 : memref<400xi32, #tpu.memory_space<vmem>>) semaphore(%arg10 : memref<!tpu.dma_semaphore, #tpu.memory_space<semaphore_mem>>)
    %add3A_152 = arith.constant 2400 : i32
    %add3A_153 = arith.addi %mul3A_2, %add3A_152 : i32
    %dma_start3A_154 = arith.constant 0 : i32
    %dma_start3A_155 = tpu.memref_slice %arg4[%add3A_153, %dma_start3A_154] : memref<204800x128xf32, #tpu.memory_space<hbm>> -> memref<400x128xf32, #tpu.memory_space<hbm>>
    %dma_start3A_156 = arith.constant 0 : i32
    %dma_start3A_157 = tpu.memref_slice %arg4[%add3A_153, %dma_start3A_156] : memref<204800x128xf32, #tpu.memory_space<hbm>> -> memref<400x128xf32, #tpu.memory_space<hbm>>
    tpu.enqueue_dma source(%arg6 : memref<400x128xf32, #tpu.memory_space<vmem>>) target(%dma_start3A_157 : memref<400x128xf32, #tpu.memory_space<hbm>>) target_semaphore(%arg11 : memref<!tpu.dma_semaphore, #tpu.memory_space<semaphore_mem>>)
    %dma_wait3A_158 = arith.constant 2800 : i32
    %dma_wait3A_159 = tpu.memref_slice %arg5[%dma_wait3A_158] : memref<6400xi32, #tpu.memory_space<vmem>> -> memref<400xi32, #tpu.memory_space<vmem>>
    %dma_wait3A_160 = arith.constant 0 : i32
    %dma_wait3A_161 = arith.constant 0 : i32
    %dma_wait3A_162 = tpu.memref_slice %arg3[%dma_wait3A_160, %dma_wait3A_161] : memref<100000x128xf32, #tpu.memory_space<hbm>> -> memref<100000x128xf32, #tpu.memory_space<hbm>>
    tpu.wait_indirect_dma semaphore(%arg10 : memref<!tpu.dma_semaphore, #tpu.memory_space<semaphore_mem>>) src(%dma_wait3A_162 : memref<100000x128xf32, #tpu.memory_space<hbm>>) dst(%arg7 : memref<400x128xf32, #tpu.memory_space<vmem>>)
    %add3A_163 = arith.constant 2400 : i32
    %add3A_164 = arith.addi %mul3A_2, %add3A_163 : i32
    %dma_wait3A_165 = arith.constant 0 : i32
    %dma_wait3A_166 = tpu.memref_slice %arg4[%add3A_164, %dma_wait3A_165] : memref<204800x128xf32, #tpu.memory_space<hbm>> -> memref<400x128xf32, #tpu.memory_space<hbm>>
    %dma_wait3A_167 = arith.constant 0 : i32
    %dma_wait3A_168 = tpu.memref_slice %arg4[%add3A_164, %dma_wait3A_167] : memref<204800x128xf32, #tpu.memory_space<hbm>> -> memref<400x128xf32, #tpu.memory_space<hbm>>
    tpu.wait_dma2 semaphore(%arg11 : memref<!tpu.dma_semaphore, #tpu.memory_space<semaphore_mem>>) src(%arg6 : memref<400x128xf32, #tpu.memory_space<vmem>>) dst(%dma_wait3A_168 : memref<400x128xf32, #tpu.memory_space<hbm>>)
    %dma_start3A_169 = arith.constant 3200 : i32
    %dma_start3A_170 = tpu.memref_slice %arg5[%dma_start3A_169] : memref<6400xi32, #tpu.memory_space<vmem>> -> memref<400xi32, #tpu.memory_space<vmem>>
    %dma_start3A_171 = arith.constant 0 : i32
    %dma_start3A_172 = arith.constant 0 : i32
    %dma_start3A_173 = tpu.memref_slice %arg3[%dma_start3A_171, %dma_start3A_172] : memref<100000x128xf32, #tpu.memory_space<hbm>> -> memref<100000x128xf32, #tpu.memory_space<hbm>>
    tpu.enqueue_indirect_dma source(%dma_start3A_173 : memref<100000x128xf32, #tpu.memory_space<hbm>>) target(%arg6 : memref<400x128xf32, #tpu.memory_space<vmem>>) offsets(%dma_start3A_170 : memref<400xi32, #tpu.memory_space<vmem>>) semaphore(%arg9 : memref<!tpu.dma_semaphore, #tpu.memory_space<semaphore_mem>>)
    %add3A_174 = arith.constant 2800 : i32
    %add3A_175 = arith.addi %mul3A_2, %add3A_174 : i32
    %dma_start3A_176 = arith.constant 0 : i32
    %dma_start3A_177 = tpu.memref_slice %arg4[%add3A_175, %dma_start3A_176] : memref<204800x128xf32, #tpu.memory_space<hbm>> -> memref<400x128xf32, #tpu.memory_space<hbm>>
    %dma_start3A_178 = arith.constant 0 : i32
    %dma_start3A_179 = tpu.memref_slice %arg4[%add3A_175, %dma_start3A_178] : memref<204800x128xf32, #tpu.memory_space<hbm>> -> memref<400x128xf32, #tpu.memory_space<hbm>>
    tpu.enqueue_dma source(%arg7 : memref<400x128xf32, #tpu.memory_space<vmem>>) target(%dma_start3A_179 : memref<400x128xf32, #tpu.memory_space<hbm>>) target_semaphore(%arg11 : memref<!tpu.dma_semaphore, #tpu.memory_space<semaphore_mem>>)
    %dma_wait3A_180 = arith.constant 3200 : i32
    %dma_wait3A_181 = tpu.memref_slice %arg5[%dma_wait3A_180] : memref<6400xi32, #tpu.memory_space<vmem>> -> memref<400xi32, #tpu.memory_space<vmem>>
    %dma_wait3A_182 = arith.constant 0 : i32
    %dma_wait3A_183 = arith.constant 0 : i32
    %dma_wait3A_184 = tpu.memref_slice %arg3[%dma_wait3A_182, %dma_wait3A_183] : memref<100000x128xf32, #tpu.memory_space<hbm>> -> memref<100000x128xf32, #tpu.memory_space<hbm>>
    tpu.wait_indirect_dma semaphore(%arg9 : memref<!tpu.dma_semaphore, #tpu.memory_space<semaphore_mem>>) src(%dma_wait3A_184 : memref<100000x128xf32, #tpu.memory_space<hbm>>) dst(%arg6 : memref<400x128xf32, #tpu.memory_space<vmem>>)
    %add3A_185 = arith.constant 2800 : i32
    %add3A_186 = arith.addi %mul3A_2, %add3A_185 : i32
    %dma_wait3A_187 = arith.constant 0 : i32
    %dma_wait3A_188 = tpu.memref_slice %arg4[%add3A_186, %dma_wait3A_187] : memref<204800x128xf32, #tpu.memory_space<hbm>> -> memref<400x128xf32, #tpu.memory_space<hbm>>
    %dma_wait3A_189 = arith.constant 0 : i32
    %dma_wait3A_190 = tpu.memref_slice %arg4[%add3A_186, %dma_wait3A_189] : memref<204800x128xf32, #tpu.memory_space<hbm>> -> memref<400x128xf32, #tpu.memory_space<hbm>>
    tpu.wait_dma2 semaphore(%arg11 : memref<!tpu.dma_semaphore, #tpu.memory_space<semaphore_mem>>) src(%arg7 : memref<400x128xf32, #tpu.memory_space<vmem>>) dst(%dma_wait3A_190 : memref<400x128xf32, #tpu.memory_space<hbm>>)
    %dma_start3A_191 = arith.constant 3600 : i32
    %dma_start3A_192 = tpu.memref_slice %arg5[%dma_start3A_191] : memref<6400xi32, #tpu.memory_space<vmem>> -> memref<400xi32, #tpu.memory_space<vmem>>
    %dma_start3A_193 = arith.constant 0 : i32
    %dma_start3A_194 = arith.constant 0 : i32
    %dma_start3A_195 = tpu.memref_slice %arg3[%dma_start3A_193, %dma_start3A_194] : memref<100000x128xf32, #tpu.memory_space<hbm>> -> memref<100000x128xf32, #tpu.memory_space<hbm>>
    tpu.enqueue_indirect_dma source(%dma_start3A_195 : memref<100000x128xf32, #tpu.memory_space<hbm>>) target(%arg7 : memref<400x128xf32, #tpu.memory_space<vmem>>) offsets(%dma_start3A_192 : memref<400xi32, #tpu.memory_space<vmem>>) semaphore(%arg10 : memref<!tpu.dma_semaphore, #tpu.memory_space<semaphore_mem>>)
    %add3A_196 = arith.constant 3200 : i32
    %add3A_197 = arith.addi %mul3A_2, %add3A_196 : i32
    %dma_start3A_198 = arith.constant 0 : i32
    %dma_start3A_199 = tpu.memref_slice %arg4[%add3A_197, %dma_start3A_198] : memref<204800x128xf32, #tpu.memory_space<hbm>> -> memref<400x128xf32, #tpu.memory_space<hbm>>
    %dma_start3A_200 = arith.constant 0 : i32
    %dma_start3A_201 = tpu.memref_slice %arg4[%add3A_197, %dma_start3A_200] : memref<204800x128xf32, #tpu.memory_space<hbm>> -> memref<400x128xf32, #tpu.memory_space<hbm>>
    tpu.enqueue_dma source(%arg6 : memref<400x128xf32, #tpu.memory_space<vmem>>) target(%dma_start3A_201 : memref<400x128xf32, #tpu.memory_space<hbm>>) target_semaphore(%arg11 : memref<!tpu.dma_semaphore, #tpu.memory_space<semaphore_mem>>)
    %dma_wait3A_202 = arith.constant 3600 : i32
    %dma_wait3A_203 = tpu.memref_slice %arg5[%dma_wait3A_202] : memref<6400xi32, #tpu.memory_space<vmem>> -> memref<400xi32, #tpu.memory_space<vmem>>
    %dma_wait3A_204 = arith.constant 0 : i32
    %dma_wait3A_205 = arith.constant 0 : i32
    %dma_wait3A_206 = tpu.memref_slice %arg3[%dma_wait3A_204, %dma_wait3A_205] : memref<100000x128xf32, #tpu.memory_space<hbm>> -> memref<100000x128xf32, #tpu.memory_space<hbm>>
    tpu.wait_indirect_dma semaphore(%arg10 : memref<!tpu.dma_semaphore, #tpu.memory_space<semaphore_mem>>) src(%dma_wait3A_206 : memref<100000x128xf32, #tpu.memory_space<hbm>>) dst(%arg7 : memref<400x128xf32, #tpu.memory_space<vmem>>)
    %add3A_207 = arith.constant 3200 : i32
    %add3A_208 = arith.addi %mul3A_2, %add3A_207 : i32
    %dma_wait3A_209 = arith.constant 0 : i32
    %dma_wait3A_210 = tpu.memref_slice %arg4[%add3A_208, %dma_wait3A_209] : memref<204800x128xf32, #tpu.memory_space<hbm>> -> memref<400x128xf32, #tpu.memory_space<hbm>>
    %dma_wait3A_211 = arith.constant 0 : i32
    %dma_wait3A_212 = tpu.memref_slice %arg4[%add3A_208, %dma_wait3A_211] : memref<204800x128xf32, #tpu.memory_space<hbm>> -> memref<400x128xf32, #tpu.memory_space<hbm>>
    tpu.wait_dma2 semaphore(%arg11 : memref<!tpu.dma_semaphore, #tpu.memory_space<semaphore_mem>>) src(%arg6 : memref<400x128xf32, #tpu.memory_space<vmem>>) dst(%dma_wait3A_212 : memref<400x128xf32, #tpu.memory_space<hbm>>)
    %dma_start3A_213 = arith.constant 4000 : i32
    %dma_start3A_214 = tpu.memref_slice %arg5[%dma_start3A_213] : memref<6400xi32, #tpu.memory_space<vmem>> -> memref<400xi32, #tpu.memory_space<vmem>>
    %dma_start3A_215 = arith.constant 0 : i32
    %dma_start3A_216 = arith.constant 0 : i32
    %dma_start3A_217 = tpu.memref_slice %arg3[%dma_start3A_215, %dma_start3A_216] : memref<100000x128xf32, #tpu.memory_space<hbm>> -> memref<100000x128xf32, #tpu.memory_space<hbm>>
    tpu.enqueue_indirect_dma source(%dma_start3A_217 : memref<100000x128xf32, #tpu.memory_space<hbm>>) target(%arg6 : memref<400x128xf32, #tpu.memory_space<vmem>>) offsets(%dma_start3A_214 : memref<400xi32, #tpu.memory_space<vmem>>) semaphore(%arg9 : memref<!tpu.dma_semaphore, #tpu.memory_space<semaphore_mem>>)
    %add3A_218 = arith.constant 3600 : i32
    %add3A_219 = arith.addi %mul3A_2, %add3A_218 : i32
    %dma_start3A_220 = arith.constant 0 : i32
    %dma_start3A_221 = tpu.memref_slice %arg4[%add3A_219, %dma_start3A_220] : memref<204800x128xf32, #tpu.memory_space<hbm>> -> memref<400x128xf32, #tpu.memory_space<hbm>>
    %dma_start3A_222 = arith.constant 0 : i32
    %dma_start3A_223 = tpu.memref_slice %arg4[%add3A_219, %dma_start3A_222] : memref<204800x128xf32, #tpu.memory_space<hbm>> -> memref<400x128xf32, #tpu.memory_space<hbm>>
    tpu.enqueue_dma source(%arg7 : memref<400x128xf32, #tpu.memory_space<vmem>>) target(%dma_start3A_223 : memref<400x128xf32, #tpu.memory_space<hbm>>) target_semaphore(%arg11 : memref<!tpu.dma_semaphore, #tpu.memory_space<semaphore_mem>>)
    %dma_wait3A_224 = arith.constant 4000 : i32
    %dma_wait3A_225 = tpu.memref_slice %arg5[%dma_wait3A_224] : memref<6400xi32, #tpu.memory_space<vmem>> -> memref<400xi32, #tpu.memory_space<vmem>>
    %dma_wait3A_226 = arith.constant 0 : i32
    %dma_wait3A_227 = arith.constant 0 : i32
    %dma_wait3A_228 = tpu.memref_slice %arg3[%dma_wait3A_226, %dma_wait3A_227] : memref<100000x128xf32, #tpu.memory_space<hbm>> -> memref<100000x128xf32, #tpu.memory_space<hbm>>
    tpu.wait_indirect_dma semaphore(%arg9 : memref<!tpu.dma_semaphore, #tpu.memory_space<semaphore_mem>>) src(%dma_wait3A_228 : memref<100000x128xf32, #tpu.memory_space<hbm>>) dst(%arg6 : memref<400x128xf32, #tpu.memory_space<vmem>>)
    %add3A_229 = arith.constant 3600 : i32
    %add3A_230 = arith.addi %mul3A_2, %add3A_229 : i32
    %dma_wait3A_231 = arith.constant 0 : i32
    %dma_wait3A_232 = tpu.memref_slice %arg4[%add3A_230, %dma_wait3A_231] : memref<204800x128xf32, #tpu.memory_space<hbm>> -> memref<400x128xf32, #tpu.memory_space<hbm>>
    %dma_wait3A_233 = arith.constant 0 : i32
    %dma_wait3A_234 = tpu.memref_slice %arg4[%add3A_230, %dma_wait3A_233] : memref<204800x128xf32, #tpu.memory_space<hbm>> -> memref<400x128xf32, #tpu.memory_space<hbm>>
    tpu.wait_dma2 semaphore(%arg11 : memref<!tpu.dma_semaphore, #tpu.memory_space<semaphore_mem>>) src(%arg7 : memref<400x128xf32, #tpu.memory_space<vmem>>) dst(%dma_wait3A_234 : memref<400x128xf32, #tpu.memory_space<hbm>>)
    %dma_start3A_235 = arith.constant 4400 : i32
    %dma_start3A_236 = tpu.memref_slice %arg5[%dma_start3A_235] : memref<6400xi32, #tpu.memory_space<vmem>> -> memref<400xi32, #tpu.memory_space<vmem>>
    %dma_start3A_237 = arith.constant 0 : i32
    %dma_start3A_238 = arith.constant 0 : i32
    %dma_start3A_239 = tpu.memref_slice %arg3[%dma_start3A_237, %dma_start3A_238] : memref<100000x128xf32, #tpu.memory_space<hbm>> -> memref<100000x128xf32, #tpu.memory_space<hbm>>
    tpu.enqueue_indirect_dma source(%dma_start3A_239 : memref<100000x128xf32, #tpu.memory_space<hbm>>) target(%arg7 : memref<400x128xf32, #tpu.memory_space<vmem>>) offsets(%dma_start3A_236 : memref<400xi32, #tpu.memory_space<vmem>>) semaphore(%arg10 : memref<!tpu.dma_semaphore, #tpu.memory_space<semaphore_mem>>)
    %add3A_240 = arith.constant 4000 : i32
    %add3A_241 = arith.addi %mul3A_2, %add3A_240 : i32
    %dma_start3A_242 = arith.constant 0 : i32
    %dma_start3A_243 = tpu.memref_slice %arg4[%add3A_241, %dma_start3A_242] : memref<204800x128xf32, #tpu.memory_space<hbm>> -> memref<400x128xf32, #tpu.memory_space<hbm>>
    %dma_start3A_244 = arith.constant 0 : i32
    %dma_start3A_245 = tpu.memref_slice %arg4[%add3A_241, %dma_start3A_244] : memref<204800x128xf32, #tpu.memory_space<hbm>> -> memref<400x128xf32, #tpu.memory_space<hbm>>
    tpu.enqueue_dma source(%arg6 : memref<400x128xf32, #tpu.memory_space<vmem>>) target(%dma_start3A_245 : memref<400x128xf32, #tpu.memory_space<hbm>>) target_semaphore(%arg11 : memref<!tpu.dma_semaphore, #tpu.memory_space<semaphore_mem>>)
    %dma_wait3A_246 = arith.constant 4400 : i32
    %dma_wait3A_247 = tpu.memref_slice %arg5[%dma_wait3A_246] : memref<6400xi32, #tpu.memory_space<vmem>> -> memref<400xi32, #tpu.memory_space<vmem>>
    %dma_wait3A_248 = arith.constant 0 : i32
    %dma_wait3A_249 = arith.constant 0 : i32
    %dma_wait3A_250 = tpu.memref_slice %arg3[%dma_wait3A_248, %dma_wait3A_249] : memref<100000x128xf32, #tpu.memory_space<hbm>> -> memref<100000x128xf32, #tpu.memory_space<hbm>>
    tpu.wait_indirect_dma semaphore(%arg10 : memref<!tpu.dma_semaphore, #tpu.memory_space<semaphore_mem>>) src(%dma_wait3A_250 : memref<100000x128xf32, #tpu.memory_space<hbm>>) dst(%arg7 : memref<400x128xf32, #tpu.memory_space<vmem>>)
    %add3A_251 = arith.constant 4000 : i32
    %add3A_252 = arith.addi %mul3A_2, %add3A_251 : i32
    %dma_wait3A_253 = arith.constant 0 : i32
    %dma_wait3A_254 = tpu.memref_slice %arg4[%add3A_252, %dma_wait3A_253] : memref<204800x128xf32, #tpu.memory_space<hbm>> -> memref<400x128xf32, #tpu.memory_space<hbm>>
    %dma_wait3A_255 = arith.constant 0 : i32
    %dma_wait3A_256 = tpu.memref_slice %arg4[%add3A_252, %dma_wait3A_255] : memref<204800x128xf32, #tpu.memory_space<hbm>> -> memref<400x128xf32, #tpu.memory_space<hbm>>
    tpu.wait_dma2 semaphore(%arg11 : memref<!tpu.dma_semaphore, #tpu.memory_space<semaphore_mem>>) src(%arg6 : memref<400x128xf32, #tpu.memory_space<vmem>>) dst(%dma_wait3A_256 : memref<400x128xf32, #tpu.memory_space<hbm>>)
    %dma_start3A_257 = arith.constant 4800 : i32
    %dma_start3A_258 = tpu.memref_slice %arg5[%dma_start3A_257] : memref<6400xi32, #tpu.memory_space<vmem>> -> memref<400xi32, #tpu.memory_space<vmem>>
    %dma_start3A_259 = arith.constant 0 : i32
    %dma_start3A_260 = arith.constant 0 : i32
    %dma_start3A_261 = tpu.memref_slice %arg3[%dma_start3A_259, %dma_start3A_260] : memref<100000x128xf32, #tpu.memory_space<hbm>> -> memref<100000x128xf32, #tpu.memory_space<hbm>>
    tpu.enqueue_indirect_dma source(%dma_start3A_261 : memref<100000x128xf32, #tpu.memory_space<hbm>>) target(%arg6 : memref<400x128xf32, #tpu.memory_space<vmem>>) offsets(%dma_start3A_258 : memref<400xi32, #tpu.memory_space<vmem>>) semaphore(%arg9 : memref<!tpu.dma_semaphore, #tpu.memory_space<semaphore_mem>>)
    %add3A_262 = arith.constant 4400 : i32
    %add3A_263 = arith.addi %mul3A_2, %add3A_262 : i32
    %dma_start3A_264 = arith.constant 0 : i32
    %dma_start3A_265 = tpu.memref_slice %arg4[%add3A_263, %dma_start3A_264] : memref<204800x128xf32, #tpu.memory_space<hbm>> -> memref<400x128xf32, #tpu.memory_space<hbm>>
    %dma_start3A_266 = arith.constant 0 : i32
    %dma_start3A_267 = tpu.memref_slice %arg4[%add3A_263, %dma_start3A_266] : memref<204800x128xf32, #tpu.memory_space<hbm>> -> memref<400x128xf32, #tpu.memory_space<hbm>>
    tpu.enqueue_dma source(%arg7 : memref<400x128xf32, #tpu.memory_space<vmem>>) target(%dma_start3A_267 : memref<400x128xf32, #tpu.memory_space<hbm>>) target_semaphore(%arg11 : memref<!tpu.dma_semaphore, #tpu.memory_space<semaphore_mem>>)
    %dma_wait3A_268 = arith.constant 4800 : i32
    %dma_wait3A_269 = tpu.memref_slice %arg5[%dma_wait3A_268] : memref<6400xi32, #tpu.memory_space<vmem>> -> memref<400xi32, #tpu.memory_space<vmem>>
    %dma_wait3A_270 = arith.constant 0 : i32
    %dma_wait3A_271 = arith.constant 0 : i32
    %dma_wait3A_272 = tpu.memref_slice %arg3[%dma_wait3A_270, %dma_wait3A_271] : memref<100000x128xf32, #tpu.memory_space<hbm>> -> memref<100000x128xf32, #tpu.memory_space<hbm>>
    tpu.wait_indirect_dma semaphore(%arg9 : memref<!tpu.dma_semaphore, #tpu.memory_space<semaphore_mem>>) src(%dma_wait3A_272 : memref<100000x128xf32, #tpu.memory_space<hbm>>) dst(%arg6 : memref<400x128xf32, #tpu.memory_space<vmem>>)
    %add3A_273 = arith.constant 4400 : i32
    %add3A_274 = arith.addi %mul3A_2, %add3A_273 : i32
    %dma_wait3A_275 = arith.constant 0 : i32
    %dma_wait3A_276 = tpu.memref_slice %arg4[%add3A_274, %dma_wait3A_275] : memref<204800x128xf32, #tpu.memory_space<hbm>> -> memref<400x128xf32, #tpu.memory_space<hbm>>
    %dma_wait3A_277 = arith.constant 0 : i32
    %dma_wait3A_278 = tpu.memref_slice %arg4[%add3A_274, %dma_wait3A_277] : memref<204800x128xf32, #tpu.memory_space<hbm>> -> memref<400x128xf32, #tpu.memory_space<hbm>>
    tpu.wait_dma2 semaphore(%arg11 : memref<!tpu.dma_semaphore, #tpu.memory_space<semaphore_mem>>) src(%arg7 : memref<400x128xf32, #tpu.memory_space<vmem>>) dst(%dma_wait3A_278 : memref<400x128xf32, #tpu.memory_space<hbm>>)
    %dma_start3A_279 = arith.constant 5200 : i32
    %dma_start3A_280 = tpu.memref_slice %arg5[%dma_start3A_279] : memref<6400xi32, #tpu.memory_space<vmem>> -> memref<400xi32, #tpu.memory_space<vmem>>
    %dma_start3A_281 = arith.constant 0 : i32
    %dma_start3A_282 = arith.constant 0 : i32
    %dma_start3A_283 = tpu.memref_slice %arg3[%dma_start3A_281, %dma_start3A_282] : memref<100000x128xf32, #tpu.memory_space<hbm>> -> memref<100000x128xf32, #tpu.memory_space<hbm>>
    tpu.enqueue_indirect_dma source(%dma_start3A_283 : memref<100000x128xf32, #tpu.memory_space<hbm>>) target(%arg7 : memref<400x128xf32, #tpu.memory_space<vmem>>) offsets(%dma_start3A_280 : memref<400xi32, #tpu.memory_space<vmem>>) semaphore(%arg10 : memref<!tpu.dma_semaphore, #tpu.memory_space<semaphore_mem>>)
    %add3A_284 = arith.constant 4800 : i32
    %add3A_285 = arith.addi %mul3A_2, %add3A_284 : i32
    %dma_start3A_286 = arith.constant 0 : i32
    %dma_start3A_287 = tpu.memref_slice %arg4[%add3A_285, %dma_start3A_286] : memref<204800x128xf32, #tpu.memory_space<hbm>> -> memref<400x128xf32, #tpu.memory_space<hbm>>
    %dma_start3A_288 = arith.constant 0 : i32
    %dma_start3A_289 = tpu.memref_slice %arg4[%add3A_285, %dma_start3A_288] : memref<204800x128xf32, #tpu.memory_space<hbm>> -> memref<400x128xf32, #tpu.memory_space<hbm>>
    tpu.enqueue_dma source(%arg6 : memref<400x128xf32, #tpu.memory_space<vmem>>) target(%dma_start3A_289 : memref<400x128xf32, #tpu.memory_space<hbm>>) target_semaphore(%arg11 : memref<!tpu.dma_semaphore, #tpu.memory_space<semaphore_mem>>)
    %dma_wait3A_290 = arith.constant 5200 : i32
    %dma_wait3A_291 = tpu.memref_slice %arg5[%dma_wait3A_290] : memref<6400xi32, #tpu.memory_space<vmem>> -> memref<400xi32, #tpu.memory_space<vmem>>
    %dma_wait3A_292 = arith.constant 0 : i32
    %dma_wait3A_293 = arith.constant 0 : i32
    %dma_wait3A_294 = tpu.memref_slice %arg3[%dma_wait3A_292, %dma_wait3A_293] : memref<100000x128xf32, #tpu.memory_space<hbm>> -> memref<100000x128xf32, #tpu.memory_space<hbm>>
    tpu.wait_indirect_dma semaphore(%arg10 : memref<!tpu.dma_semaphore, #tpu.memory_space<semaphore_mem>>) src(%dma_wait3A_294 : memref<100000x128xf32, #tpu.memory_space<hbm>>) dst(%arg7 : memref<400x128xf32, #tpu.memory_space<vmem>>)
    %add3A_295 = arith.constant 4800 : i32
    %add3A_296 = arith.addi %mul3A_2, %add3A_295 : i32
    %dma_wait3A_297 = arith.constant 0 : i32
    %dma_wait3A_298 = tpu.memref_slice %arg4[%add3A_296, %dma_wait3A_297] : memref<204800x128xf32, #tpu.memory_space<hbm>> -> memref<400x128xf32, #tpu.memory_space<hbm>>
    %dma_wait3A_299 = arith.constant 0 : i32
    %dma_wait3A_300 = tpu.memref_slice %arg4[%add3A_296, %dma_wait3A_299] : memref<204800x128xf32, #tpu.memory_space<hbm>> -> memref<400x128xf32, #tpu.memory_space<hbm>>
    tpu.wait_dma2 semaphore(%arg11 : memref<!tpu.dma_semaphore, #tpu.memory_space<semaphore_mem>>) src(%arg6 : memref<400x128xf32, #tpu.memory_space<vmem>>) dst(%dma_wait3A_300 : memref<400x128xf32, #tpu.memory_space<hbm>>)
    %dma_start3A_301 = arith.constant 5600 : i32
    %dma_start3A_302 = tpu.memref_slice %arg5[%dma_start3A_301] : memref<6400xi32, #tpu.memory_space<vmem>> -> memref<400xi32, #tpu.memory_space<vmem>>
    %dma_start3A_303 = arith.constant 0 : i32
    %dma_start3A_304 = arith.constant 0 : i32
    %dma_start3A_305 = tpu.memref_slice %arg3[%dma_start3A_303, %dma_start3A_304] : memref<100000x128xf32, #tpu.memory_space<hbm>> -> memref<100000x128xf32, #tpu.memory_space<hbm>>
    tpu.enqueue_indirect_dma source(%dma_start3A_305 : memref<100000x128xf32, #tpu.memory_space<hbm>>) target(%arg6 : memref<400x128xf32, #tpu.memory_space<vmem>>) offsets(%dma_start3A_302 : memref<400xi32, #tpu.memory_space<vmem>>) semaphore(%arg9 : memref<!tpu.dma_semaphore, #tpu.memory_space<semaphore_mem>>)
    %add3A_306 = arith.constant 5200 : i32
    %add3A_307 = arith.addi %mul3A_2, %add3A_306 : i32
    %dma_start3A_308 = arith.constant 0 : i32
    %dma_start3A_309 = tpu.memref_slice %arg4[%add3A_307, %dma_start3A_308] : memref<204800x128xf32, #tpu.memory_space<hbm>> -> memref<400x128xf32, #tpu.memory_space<hbm>>
    %dma_start3A_310 = arith.constant 0 : i32
    %dma_start3A_311 = tpu.memref_slice %arg4[%add3A_307, %dma_start3A_310] : memref<204800x128xf32, #tpu.memory_space<hbm>> -> memref<400x128xf32, #tpu.memory_space<hbm>>
    tpu.enqueue_dma source(%arg7 : memref<400x128xf32, #tpu.memory_space<vmem>>) target(%dma_start3A_311 : memref<400x128xf32, #tpu.memory_space<hbm>>) target_semaphore(%arg11 : memref<!tpu.dma_semaphore, #tpu.memory_space<semaphore_mem>>)
    %dma_wait3A_312 = arith.constant 5600 : i32
    %dma_wait3A_313 = tpu.memref_slice %arg5[%dma_wait3A_312] : memref<6400xi32, #tpu.memory_space<vmem>> -> memref<400xi32, #tpu.memory_space<vmem>>
    %dma_wait3A_314 = arith.constant 0 : i32
    %dma_wait3A_315 = arith.constant 0 : i32
    %dma_wait3A_316 = tpu.memref_slice %arg3[%dma_wait3A_314, %dma_wait3A_315] : memref<100000x128xf32, #tpu.memory_space<hbm>> -> memref<100000x128xf32, #tpu.memory_space<hbm>>
    tpu.wait_indirect_dma semaphore(%arg9 : memref<!tpu.dma_semaphore, #tpu.memory_space<semaphore_mem>>) src(%dma_wait3A_316 : memref<100000x128xf32, #tpu.memory_space<hbm>>) dst(%arg6 : memref<400x128xf32, #tpu.memory_space<vmem>>)
    %add3A_317 = arith.constant 5200 : i32
    %add3A_318 = arith.addi %mul3A_2, %add3A_317 : i32
    %dma_wait3A_319 = arith.constant 0 : i32
    %dma_wait3A_320 = tpu.memref_slice %arg4[%add3A_318, %dma_wait3A_319] : memref<204800x128xf32, #tpu.memory_space<hbm>> -> memref<400x128xf32, #tpu.memory_space<hbm>>
    %dma_wait3A_321 = arith.constant 0 : i32
    %dma_wait3A_322 = tpu.memref_slice %arg4[%add3A_318, %dma_wait3A_321] : memref<204800x128xf32, #tpu.memory_space<hbm>> -> memref<400x128xf32, #tpu.memory_space<hbm>>
    tpu.wait_dma2 semaphore(%arg11 : memref<!tpu.dma_semaphore, #tpu.memory_space<semaphore_mem>>) src(%arg7 : memref<400x128xf32, #tpu.memory_space<vmem>>) dst(%dma_wait3A_322 : memref<400x128xf32, #tpu.memory_space<hbm>>)
    %dma_start3A_323 = arith.constant 6000 : i32
    %dma_start3A_324 = tpu.memref_slice %arg5[%dma_start3A_323] : memref<6400xi32, #tpu.memory_space<vmem>> -> memref<400xi32, #tpu.memory_space<vmem>>
    %dma_start3A_325 = arith.constant 0 : i32
    %dma_start3A_326 = arith.constant 0 : i32
    %dma_start3A_327 = tpu.memref_slice %arg3[%dma_start3A_325, %dma_start3A_326] : memref<100000x128xf32, #tpu.memory_space<hbm>> -> memref<100000x128xf32, #tpu.memory_space<hbm>>
    tpu.enqueue_indirect_dma source(%dma_start3A_327 : memref<100000x128xf32, #tpu.memory_space<hbm>>) target(%arg7 : memref<400x128xf32, #tpu.memory_space<vmem>>) offsets(%dma_start3A_324 : memref<400xi32, #tpu.memory_space<vmem>>) semaphore(%arg10 : memref<!tpu.dma_semaphore, #tpu.memory_space<semaphore_mem>>)
    %add3A_328 = arith.constant 5600 : i32
    %add3A_329 = arith.addi %mul3A_2, %add3A_328 : i32
    %dma_start3A_330 = arith.constant 0 : i32
    %dma_start3A_331 = tpu.memref_slice %arg4[%add3A_329, %dma_start3A_330] : memref<204800x128xf32, #tpu.memory_space<hbm>> -> memref<400x128xf32, #tpu.memory_space<hbm>>
    %dma_start3A_332 = arith.constant 0 : i32
    %dma_start3A_333 = tpu.memref_slice %arg4[%add3A_329, %dma_start3A_332] : memref<204800x128xf32, #tpu.memory_space<hbm>> -> memref<400x128xf32, #tpu.memory_space<hbm>>
    tpu.enqueue_dma source(%arg6 : memref<400x128xf32, #tpu.memory_space<vmem>>) target(%dma_start3A_333 : memref<400x128xf32, #tpu.memory_space<hbm>>) target_semaphore(%arg11 : memref<!tpu.dma_semaphore, #tpu.memory_space<semaphore_mem>>)
    %dma_wait3A_334 = arith.constant 6000 : i32
    %dma_wait3A_335 = tpu.memref_slice %arg5[%dma_wait3A_334] : memref<6400xi32, #tpu.memory_space<vmem>> -> memref<400xi32, #tpu.memory_space<vmem>>
    %dma_wait3A_336 = arith.constant 0 : i32
    %dma_wait3A_337 = arith.constant 0 : i32
    %dma_wait3A_338 = tpu.memref_slice %arg3[%dma_wait3A_336, %dma_wait3A_337] : memref<100000x128xf32, #tpu.memory_space<hbm>> -> memref<100000x128xf32, #tpu.memory_space<hbm>>
    tpu.wait_indirect_dma semaphore(%arg10 : memref<!tpu.dma_semaphore, #tpu.memory_space<semaphore_mem>>) src(%dma_wait3A_338 : memref<100000x128xf32, #tpu.memory_space<hbm>>) dst(%arg7 : memref<400x128xf32, #tpu.memory_space<vmem>>)
    %add3A_339 = arith.constant 6000 : i32
    %add3A_340 = arith.addi %mul3A_2, %add3A_339 : i32
    %dma_start3A_341 = arith.constant 0 : i32
    %dma_start3A_342 = tpu.memref_slice %arg4[%add3A_340, %dma_start3A_341] : memref<204800x128xf32, #tpu.memory_space<hbm>> -> memref<400x128xf32, #tpu.memory_space<hbm>>
    %dma_start3A_343 = arith.constant 0 : i32
    %dma_start3A_344 = tpu.memref_slice %arg4[%add3A_340, %dma_start3A_343] : memref<204800x128xf32, #tpu.memory_space<hbm>> -> memref<400x128xf32, #tpu.memory_space<hbm>>
    tpu.enqueue_dma source(%arg7 : memref<400x128xf32, #tpu.memory_space<vmem>>) target(%dma_start3A_344 : memref<400x128xf32, #tpu.memory_space<hbm>>) target_semaphore(%arg11 : memref<!tpu.dma_semaphore, #tpu.memory_space<semaphore_mem>>)
    %add3A_345 = arith.constant 5600 : i32
    %add3A_346 = arith.addi %mul3A_2, %add3A_345 : i32
    %dma_wait3A_347 = arith.constant 0 : i32
    %dma_wait3A_348 = tpu.memref_slice %arg4[%add3A_346, %dma_wait3A_347] : memref<204800x128xf32, #tpu.memory_space<hbm>> -> memref<400x128xf32, #tpu.memory_space<hbm>>
    %dma_wait3A_349 = arith.constant 0 : i32
    %dma_wait3A_350 = tpu.memref_slice %arg4[%add3A_346, %dma_wait3A_349] : memref<204800x128xf32, #tpu.memory_space<hbm>> -> memref<400x128xf32, #tpu.memory_space<hbm>>
    tpu.wait_dma2 semaphore(%arg11 : memref<!tpu.dma_semaphore, #tpu.memory_space<semaphore_mem>>) src(%arg6 : memref<400x128xf32, #tpu.memory_space<vmem>>) dst(%dma_wait3A_350 : memref<400x128xf32, #tpu.memory_space<hbm>>)
    %add3A_351 = arith.constant 6000 : i32
    %add3A_352 = arith.addi %mul3A_2, %add3A_351 : i32
    %dma_wait3A_353 = arith.constant 0 : i32
    %dma_wait3A_354 = tpu.memref_slice %arg4[%add3A_352, %dma_wait3A_353] : memref<204800x128xf32, #tpu.memory_space<hbm>> -> memref<400x128xf32, #tpu.memory_space<hbm>>
    %dma_wait3A_355 = arith.constant 0 : i32
    %dma_wait3A_356 = tpu.memref_slice %arg4[%add3A_352, %dma_wait3A_355] : memref<204800x128xf32, #tpu.memory_space<hbm>> -> memref<400x128xf32, #tpu.memory_space<hbm>>
    tpu.wait_dma2 semaphore(%arg11 : memref<!tpu.dma_semaphore, #tpu.memory_space<semaphore_mem>>) src(%arg7 : memref<400x128xf32, #tpu.memory_space<vmem>>) dst(%dma_wait3A_356 : memref<400x128xf32, #tpu.memory_space<hbm>>)
    return
  }
}

</mosaic_0001>

<sc_bundles>
// kernel: kernel.3.cloned.1.call-start
scs
__scs_entry_jumppad:
0x0: {  	(pc) =	sbr.rel $0x88, $3  }
0x1: {  	(tag) =	ssettag $0x0;
	lr =	simm.s32 $0x1  }
0x2: {  	[smem:$0x3F9F] =	sst lr;
	_ =	strace $0xD0000000  }
0x3: {  	_ = 	snop  }
0x4: {  	_ = 	snop  }
0x5: {  	_ = 	snop  }
0x6: {  	_ = 	snop  }
0x7: {  	_ = 	snop  }
__scs_overlays_trampoline_lowered:
0x8: {  	[smem:$0x3FAE] =	sst s0  }
0x9: {  	[smem:$0x3FAF] =	sst s1  }
0xa: {  	[smem:$0x3FB0] =	sst s2  }
0xb: {  	[smem:$0x3FB1] =	sst s3  }
0xc: {  	[smem:$0x3FB2] =	sst s4  }
0xd: {  	[smem:$0x3FB3] =	sst s5  }
0xe: {  	[smem:$0x3FB4] =	sst s6  }
0xf: {  	[smem:$0x3FB5] =	sst s7  }
0x10: {  	[smem:$0x3FB6] =	sst s8  }
0x11: {  	[smem:$0x3FB7] =	sst s9;
	s0 =	simm.s32 @!p0 $0x0  }
0x12: {  	s1 =	sld [smem:$0x3F9D];
	s0 =	simm.s32 @p0 $0x1  }
0x13: {  	[smem:$0x3FB8] =	sst s0;
	s0 =	simm.s32 @!p1 $0x0  }
0x14: {  	s2 =	sld [smem:$0x3F9C];
	s0 =	simm.s32 @p1 $0x1  }
0x15: {  	[smem:$0x3FB9] =	sst s0;
	s0 =	simm.s32 @!p2 $0x0  }
0x16: {  	s3 =	sld [smem:$0x3FDB];
	s0 =	simm.s32 @p2 $0x1  }
0x17: {  	s4 =	simm.s32 $0x1BF5;
	[smem:$0x3FBB] =	sst s0  }
0x18: {  	s0 =	sld [smem:$0x3F9E];
	_ =	swait.ge [sflag:s4], $0x0  }
0x19: {  	s7 =	sld [smem:$0x3F9F]  }
0x1a: {  	s8 =	sadd.s32 $0xFFFFE003, lr  }
0x1b: {  	s9 =	sadd.s32 $0xFFFFFEF7, lr;
	s5 =	simm.s32 $0xFFFFFFFF;
	p2 =	slt.u32 s8, $0xFFFFF086  }
0x1c: {  	p1 =	slt.u32 s9, $0xF7A;
	s5 =	simm.s32 @!p2 $0x0  }
0x1d: {  	s5 =	simm.s32 @p1 $0x1;
	p0 =	seq.s32 s7, s2  }
0x1e: {  	s7 =	smul.u32 @!p0 $0xF7A, s2;
	p2 =	seq.s32 @!p0 s5, $0x0  }
0x1f: {  	s9 =	smul.u32 $0xF7A, s1;
	s8 =	simm.s32 @!p0 $0x1BF5;
	p2 =	por !p2, p0  }
0x20: {  	[sflag:s8] =	ssyncset.s32 @!p0 $0xFFFFF086;
	s6 =	sadd.s32 @!p0 s3, s7;
	s7 =	simm.s32 @!p0 $0x108  }
0x21: {  	s3 =	sadd.s32 s3, s9;
	s6 =	sadd.s32 @!p0 $0x88, s6;
	s7 =	simm.s32 @p2 $0x1082  }
0x22: {  	[simem:s7], [sflag:s8] =	dma.local @!p0 [hbm:s6], $0xF7A  }
0x23: {  	s9 =	sor.u32 $0xD0000000, s2;
	s6 =	simm.s32 $0x108;
	_ =	swait.ge @!p0 [sflag:s8], $0x0  }
0x24: {  	s3 =	sadd.s32 $0x88, s3;
	s6 =	simm.s32 @!p1 $0x1082;
	[sflag:s4] =	ssyncset.s32 $0xFFFFF086  }
0x25: {  	[simem:s6], [sflag:s4] =	dma.local [hbm:s3], $0xF7A  }
0x26: {  	[smem:$0x3F9F] =	sst s1;
	(tag) =	ssettag s2;
	_ =	strace s9  }
0x27: {  	s1 =	sld [smem:$0x3FAF]  }
0x28: {  	s2 =	sld [smem:$0x3FB0]  }
0x29: {  	s4 =	sld [smem:$0x3FB2]  }
0x2a: {  	p0 =	seq.s32 s5, $0x0;
	s5 =	sld [smem:$0x3FB3]  }
0x2b: {  	s6 =	sld [smem:$0x3FB4]  }
0x2c: {  	s7 =	sld [smem:$0x3FB5]  }
0x2d: {  	s3 =	simm.s32 $0x108;
	s8 =	sld [smem:$0x3FB6]  }
0x2e: {  	s3 =	simm.s32 @!p0 $0x1082;
	s9 =	sld [smem:$0x3FB7]  }
0x2f: {  	lr =	sadd.s32 s0, s3;
	s0 =	sld [smem:$0x3FAE]  }
0x30: {  	s3 =	sld [smem:$0x3FB1]  }
0x31: {  	[smem:$0x3FBA] =	sst s10  }
0x32: {  	s10 =	sld [smem:$0x3FB8];
	_ =	sdelay $0x3  }
0x33: {  	p0 =	seq.s32 s10, $0x1;
	s10 =	sld [smem:$0x3FBA];
	_ =	sdelay $0x3  }
0x34: {  	[smem:$0x3FBA] =	sst s10  }
0x35: {  	s10 =	sld [smem:$0x3FB9];
	_ =	sdelay $0x3  }
0x36: {  	p1 =	seq.s32 s10, $0x1;
	s10 =	sld [smem:$0x3FBA];
	_ =	sdelay $0x3  }
0x37: {  	[smem:$0x3FBA] =	sst s10  }
0x38: {  	s10 =	sld [smem:$0x3FBB]  }
0x39: {  	_ = 	snop;
	(pc) =	sbr.ind lr, $3  }
0x3a: {  	_ = 	snop  }
0x3b: {  	_ = 	snop  }
0x3c: {  	p2 =	seq.s32 s10, $0x1;
	s10 =	sld [smem:$0x3FBA]  }
0x3d: {  	_ =	shalt  }
0x3e: {  	_ =	shalt  }
0x3f: {  	_ =	shalt  }
0x40: {  	_ =	shalt  }
0x41: {  	_ =	shalt  }
0x42: {  	_ =	shalt  }
0x43: {  	_ =	shalt  }
0x44: {  	_ =	shalt  }
0x45: {  	_ =	shalt  }
0x46: {  	_ =	shalt  }
0x47: {  	_ =	shalt  }
0x48: {  	_ =	shalt  }
0x49: {  	_ =	shalt  }
0x4a: {  	_ =	shalt  }
0x4b: {  	_ =	shalt  }
0x4c: {  	_ =	shalt  }
0x4d: {  	_ =	shalt  }
0x4e: {  	_ =	shalt  }
0x4f: {  	_ =	shalt  }
0x50: {  	_ =	shalt  }
0x51: {  	_ =	shalt  }
0x52: {  	_ =	shalt  }
0x53: {  	_ =	shalt  }
0x54: {  	_ =	shalt  }
0x55: {  	_ =	shalt  }
0x56: {  	_ =	shalt  }
0x57: {  	_ =	shalt  }
0x58: {  	_ =	shalt  }
0x59: {  	_ =	shalt  }
0x5a: {  	_ =	shalt  }
0x5b: {  	_ =	shalt  }
0x5c: {  	_ =	shalt  }
0x5d: {  	_ =	shalt  }
0x5e: {  	_ =	shalt  }
0x5f: {  	_ =	shalt  }
0x60: {  	_ =	shalt  }
0x61: {  	_ =	shalt  }
0x62: {  	_ =	shalt  }
0x63: {  	_ =	shalt  }
0x64: {  	_ =	shalt  }
0x65: {  	_ =	shalt  }
0x66: {  	_ =	shalt  }
0x67: {  	_ =	shalt  }
0x68: {  	_ =	shalt  }
0x69: {  	_ =	shalt  }
0x6a: {  	_ =	shalt  }
0x6b: {  	_ =	shalt  }
0x6c: {  	_ =	shalt  }
0x6d: {  	_ =	shalt  }
0x6e: {  	_ =	shalt  }
0x6f: {  	_ =	shalt  }
0x70: {  	_ =	shalt  }
0x71: {  	_ =	shalt  }
0x72: {  	_ =	shalt  }
0x73: {  	_ =	shalt  }
0x74: {  	_ =	shalt  }
0x75: {  	_ =	shalt  }
0x76: {  	_ =	shalt  }
0x77: {  	_ =	shalt  }
0x78: {  	_ =	shalt  }
0x79: {  	_ =	shalt  }
0x7a: {  	_ =	shalt  }
0x7b: {  	_ =	shalt  }
0x7c: {  	_ =	shalt  }
0x7d: {  	_ =	shalt  }
0x7e: {  	_ =	shalt  }
0x7f: {  	_ =	shalt  }
0x80: {  	_ =	shalt  }
0x81: {  	_ =	shalt  }
0x82: {  	_ =	shalt  }
0x83: {  	_ =	shalt  }
0x84: {  	_ =	shalt  }
0x85: {  	_ =	shalt  }
0x86: {  	_ =	shalt  }
0x87: {  	_ =	shalt  }
.Lfunc_end0:
.L_simem_size_0:
called_computation_lowered:
.L_overlay_start_0:
0x88: {  	s2 =	sld [smem:$0x3FD9]  }
0x89: {  	s3 =	sld [smem:$0x3FFE];
	_ =	sdelay $0x1  }
0x8a: {  	s1 =	srdreg.scid  }
0x8b: {  	s0 =	sand.u32 $0x1, s1  }
0x8c: {  	s17 =	sshll.u32 s0, $0xA;
	s2 =	sadd.s32 s3, s2  }
0x8d: {  	s2 =	sadd.s32 s2, s17  }
0x8e: {  	[smem:$0x3FC6] =	sst s2  }
0x8f: {  	_ = 	snop  }
0x90: {  	s2 =	sld [smem:$0x3FC8]  }
0x91: {  	s18 =	sld [smem:$0x3FD0];
	(tm) =	ssettm $0x1  }
0x92: {  	s4 =	sld [smem:$0x3FFB];
	_ =	sdelay $0x3  }
0x93: {  	_ =	strace s4  }
0x94: {  	s4 =	sld [smem:$0x3FFC];
	_ =	sdelay $0x3  }
0x95: {  	_ =	strace s4  }
0x96: {  	s4 =	sld [smem:$0x3FFD];
	_ =	sdelay $0x3  }
0x97: {  	_ =	strace s4  }
0x98: {  	_ =	strace $0x8FFFFFFF  }
0x99: {  	s19 =	sld [smem:$0x3FDB];
	_ =	sdelay $0x1  }
0x9a: {  	s5 =	simm.s32 $_scs_section_size  }
0x9b: {  	s6 =	simm.s32 $_size__tile_overlayer_lowered;
	s7 =	simm.s32 $_tile_overlayer_lowered  }
0x9c: {  	s22 =	simm.s32 $0x1BFF;
	s21 =	sshll.u32 s7, $0x1;
	s4 =	sadd.s32 s5, s19  }
0x9d: {  	s8 =	simm.s32 $0x0;
	s20 =	sshll.u32 s6, $0x1;
	s6 =	sadd.s32 s21, s4  }
0x9e: {  	[timem:s8], [sflag:s22] =	dma.local [hbm:s6], s20  }
0x9f: {  	_ =	swait.ge [sflag:s22], s20  }
0xa0: {  	s5 =	ssub.s32 $0x0, s20;
	[sflag:s22] =	ssyncset.done $0x0  }
0xa1: {  	[sflag:s22] =	ssyncadd.s32 s5;
	_ =	sdelay $0x1  }
0xa2: {  	s23 =	simm.s32 $0x1B8B  }
0xa3: {  	_ =	swait.ge [sflag:s23], $0x1  }
0xa4: {  	[sflag:s23] =	ssyncset.done $0x0  }
0xa5: {  	s25 =	simm.s32 $0x1B8E;
	s24 =	sld [smem:$0x3FFE];
	[sflag:s23] =	ssyncadd.s32 $0xFFFFFFFF  }
0xa6: {  	s26 =	simm.s32 $execute0_lowered;
	[smem:$0x3FD2] =	sst s25  }
0xa7: {  	s6 =	sshll.u32 s26, $0x1;
	_ =	strace $0x80000046;
	[dreg:$0x1] =	wrdreg $0xFFFFFFFF  }
0xa8: {  	s28 =	simm.s32 $_size_execute0_lowered;
	s4 =	sadd.s32 s4, s6;
	[dreg:$0x0] =	wrdreg $0x0  }
0xa9: {  	s6 =	sshll.u32 s28, $0x1;
	[dreg:$0x2] =	wrdreg s4  }
0xaa: {  	[dreg:$0x3] =	wrdreg s6  }
0xab: {  	[dreg:$0x4] =	wrdreg $0xC0  }
0xac: {  	_ =	task [dreg:s8], $0x5FFFF  }
0xad: {  	[dreg:$0x1] =	wrdreg $0xFFFFFFFF  }
0xae: {  	[dreg:$0x0] =	wrdreg $0x60  }
0xaf: {  	[dreg:$0x2] =	wrdreg s24  }
0xb0: {  	[dreg:$0x3] =	wrdreg s2  }
0xb1: {  	[dreg:$0x4] =	wrdreg s18  }
0xb2: {  	[dreg:$0x5] =	wrdreg $0x9  }
0xb3: {  	_ =	task.clear_ibuf [dreg:s8], $0x6FFFF;
	_ =	strace $0x90000046  }
0xb4: {  	s29 =	simm.s32 $0x9;
	_ =	strace $0x80000048  }
0xb5: {  	_ =	swait.ge [sflag:s29], $0x1  }
0xb6: {  	[sflag:s29] =	ssyncadd.s32 $0xFFFFFFFF  }
0xb7: {  	_ =	strace $0x90000048  }
0xb8: {  	_ =	sfence  }
0xb9: {  	s30 =	sld [smem:$0x0];
	_ =	sdelay $0x2  }
0xba: {  	s31 =	sshll.u32 s1, $0xD;
	s1 =	sshrl.u32 s1, $0x2  }
0xbb: {  	s3 =	sand.u32 $0x4000, s31;
	s1 =	sadd.s32 s1, s30  }
0xbc: {  	s0 =	sor.u32 s3, s0;
	s1 =	sshll.u32 s1, $0x11  }
0xbd: {  	s0 =	sor.u32 s1, s0  }
0xbe: {  	s0 =	sadd.s32 $0x8F2B, s0  }
0xbf: {  	[sflag:s0] =	ssyncadd.remote.s32 $0x1  }
0xc0: {  	_ =	sfence.sel $0xFFFF  }
0xc1: {  	[dreg:$0x0] =	wrdreg $0xFFFFFFFF;
	(pc) =	sbr.abs _section_cstart, $3  }
0xc2: {  	[dreg:$0x1] =	wrdreg $0xFFFFFFFF  }
0xc3: {  	_ =	task.clear_ibuf [dreg:s8], $0x2FFFF;
	_ =	strace $0x9FFFFFFF  }
0xc4: {  	(tm) =	ssettm $0x7FFFFFFF  }
0xc5: {  	_ =	shalt  }
tec
execute0_lowered:
.L_overlay_start_1:
0x0: {  	(tag) =	ssettag $0x1  }
0x1: {  	s0 =	srdreg.scid  }
0x2: {  	s2 =	stileid.u32;
	s1 =	rddreg [dreg:$0x0]  }
0x3: {  	s5 =	rddreg [dreg:$0x2];
	s31 =	simm.s32 $0x1;
	s8 =	simm.s32 $0x190  }
0x4: {  	s9 =	simm.s32 $0x1900;
	s12 =	simm.s32 $0x2;
	s10 =	simm.s32 $0x3  }
0x5: {  	s30 =	simm.s32 $0x320;
	s0 =	sand.u32 $0x1, s0;
	s3 =	sshll.u32 s2, $0x1  }
0x6: {  	s29 =	simm.s32 $0x4B0;
	s28 =	simm.s32 $0x640;
	s4 =	sor.u32 s0, s3  }
0x7: {  	p0 =	por $0x0, $0x0;
	s2 =	rddreg [dreg:$0x1];
	s6 =	smul.u32 $0x320, s4  }
0x8: {  	s3 =	simm.s32 $0x0;
	s0 =	ssub.s32 $0x2, s0;
	s7 =	smul.u32 $0xC8000, s4  }
0x9: {  	[smem:$0x7FF] =	sst s3;
	s4 =	smul.u32 $0x19000, s4;
	s24 =	sshrl.u32 s0, $0x1  }
0xa: {  	_ =	strace $0x80000047;
	s0 =	ssub.s32 s0, s24;
	s24 =	simm.s32 $0xAF0  }
0xb: {  	s1 =	sadd.s32 s6, s1;
	s13 =	sshrl.u32 s7, $0x3;
	s14 =	sadd.s32 s5, s4  }
0xc: {  	s0 =	smax.u32 s0, $0x1;
	s7 =	simm.s32 $0xE100;
	s1 =	sadd.s32 $0x400, s1  }
0xd: {  	s15 =	sadd.s32 s5, s13;
	[dreg:$0x5] =	wrdreg s14;
	s5 =	simm.s32 $0x4  }
0xe: {  	p1 =	sne.s32 s0, $0x1;
	[dreg:$0x4] =	wrdreg s1;
	s17 =	sadd.s32 $0x1900, s15  }
0xf: {  	s18 =	sadd.s32 $0x3200, s15;
	s19 =	sadd.s32 $0x4B00, s15;
	[dreg:$0x6] =	wrdreg s17  }
0x10: {  	s20 =	sadd.s32 $0x6400, s15;
	s21 =	sadd.s32 $0x7D00, s15;
	[dreg:$0x7] =	wrdreg s18  }
0x11: {  	s22 =	sadd.s32 $0x9600, s15;
	s23 =	sadd.s32 $0xAF00, s15;
	[dreg:$0x8] =	wrdreg s19  }
0x12: {  	s25 =	sadd.s32 $0xC800, s15;
	s26 =	sadd.s32 $0xE100, s15;
	[dreg:$0x9] =	wrdreg s20  }
0x13: {  	s16 =	sadd.s32 $0xFA00, s15;
	s14 =	sadd.s32 $0x11300, s15;
	[dreg:$0xa] =	wrdreg s21  }
0x14: {  	s13 =	sadd.s32 $0x12C00, s15;
	s11 =	sadd.s32 $0x14500, s15;
	[dreg:$0xb] =	wrdreg s22  }
0x15: {  	s6 =	sadd.s32 $0x15E00, s15;
	s4 =	sadd.s32 $0x17700, s15;
	[dreg:$0xc] =	wrdreg s23  }
.Ltmp0:
0x16: {  	s1 =	sadd.s32 $0xFFFFFFFF, s0;
	[dreg:$0xd] =	wrdreg s25;
	(pc) =	sbr.rel @!p1 .LBB2_3-.Ltmp0, $4  }
0x17: {  	s15 =	simm.s32 $0x1770;
	[dreg:$0xe] =	wrdreg s26;
	s26 =	simm.s32 $0x7D0  }
0x18: {  	s25 =	simm.s32 $0x960;
	s23 =	simm.s32 $0xC80;
	s22 =	simm.s32 $0xE10  }
0x19: {  	s21 =	simm.s32 $0xFA0;
	s20 =	simm.s32 $0x1130;
	s19 =	simm.s32 $0x12C0  }
0x1a: {  	s18 =	simm.s32 $0x1450;
	s17 =	simm.s32 $0x15E0;
	s0 =	rddreg [dreg:$0x4]  }
0x1b: {  	[tilespmem:s3], [sflag:$0x1] =	stream.linear.gather [hbm4b:s0+s3], $0x1900, $0x38;
	[tilespmem:$0x1A900] =	vst v63  }
0x1c: {  	_ =	swait.ge [sflag:s31], $0x1900  }
0x1d: {  	[sflag:s31] =	ssyncset.done $0x0  }
0x1e: {  	[sflag:s31] =	ssyncadd.s32 $0xFFFFE700  }
0x1f: {  	[tilespmem:s9], [sflag:$0x2] =	stream.indirect.gather [hbm4b:s2+s8], $0x80, s3, s8, $0xb8;
	[tilespmem:$0x1A900] =	vst v63  }
0x20: {  	_ =	swait.ge [sflag:s12], $0xC800  }
0x21: {  	[sflag:s12] =	ssyncset.done $0x0  }
0x22: {  	[sflag:s12] =	ssyncadd.s32 $0xFFFF3800  }
0x23: {  	[tilespmem:s7], [sflag:$0x3] =	stream.indirect.gather [hbm4b:s2+s8], $0x80, s8, s8, $0xb8;
	[tilespmem:$0x1A900] =	vst v63  }
0x24: {  	s0 =	rddreg [dreg:$0x5]  }
0x25: {  	[hbm4b:s0+s3] =	stream.linear.scatter [tilespmem:s9], [sflag:$0x4], $0xC800, $0x38;
	[tilespmem:$0x1A900] =	vst v63  }
0x26: {  	_ =	swait.ge [sflag:s10], $0xC800  }
0x27: {  	[sflag:s10] =	ssyncset.done $0x0  }
0x28: {  	[sflag:s10] =	ssyncadd.s32 $0xFFFF3800  }
0x29: {  	_ =	swait.ge [sflag:s5], $0xC800  }
0x2a: {  	[sflag:s5] =	ssyncset.done $0x0  }
0x2b: {  	[sflag:s5] =	ssyncadd.s32 $0xFFFF3800  }
0x2c: {  	[tilespmem:s9], [sflag:$0x2] =	stream.indirect.gather [hbm4b:s2+s8], $0x80, s30, s8, $0xb8;
	[tilespmem:$0x1A900] =	vst v63  }
0x2d: {  	s0 =	rddreg [dreg:$0x6]  }
0x2e: {  	[hbm4b:s0+s3] =	stream.linear.scatter [tilespmem:s7], [sflag:$0x4], $0xC800, $0x38;
	[tilespmem:$0x1A900] =	vst v63  }
0x2f: {  	_ =	swait.ge [sflag:s12], $0xC800  }
0x30: {  	[sflag:s12] =	ssyncset.done $0x0  }
0x31: {  	[sflag:s12] =	ssyncadd.s32 $0xFFFF3800  }
0x32: {  	_ =	swait.ge [sflag:s5], $0xC800  }
0x33: {  	[sflag:s5] =	ssyncset.done $0x0  }
0x34: {  	[sflag:s5] =	ssyncadd.s32 $0xFFFF3800  }
0x35: {  	[tilespmem:s7], [sflag:$0x3] =	stream.indirect.gather [hbm4b:s2+s8], $0x80, s29, s8, $0xb8;
	[tilespmem:$0x1A900] =	vst v63  }
0x36: {  	s0 =	rddreg [dreg:$0x7]  }
0x37: {  	[hbm4b:s0+s3] =	stream.linear.scatter [tilespmem:s9], [sflag:$0x4], $0xC800, $0x38;
	[tilespmem:$0x1A900] =	vst v63  }
0x38: {  	_ =	swait.ge [sflag:s10], $0xC800  }
0x39: {  	[sflag:s10] =	ssyncset.done $0x0  }
0x3a: {  	[sflag:s10] =	ssyncadd.s32 $0xFFFF3800  }
0x3b: {  	_ =	swait.ge [sflag:s5], $0xC800  }
0x3c: {  	[sflag:s5] =	ssyncset.done $0x0  }
0x3d: {  	[sflag:s5] =	ssyncadd.s32 $0xFFFF3800  }
0x3e: {  	[tilespmem:s9], [sflag:$0x2] =	stream.indirect.gather [hbm4b:s2+s8], $0x80, s28, s8, $0xb8;
	[tilespmem:$0x1A900] =	vst v63  }
0x3f: {  	s0 =	rddreg [dreg:$0x8]  }
0x40: {  	[hbm4b:s0+s3] =	stream.linear.scatter [tilespmem:s7], [sflag:$0x4], $0xC800, $0x38;
	[tilespmem:$0x1A900] =	vst v63  }
0x41: {  	_ =	swait.ge [sflag:s12], $0xC800  }
0x42: {  	[sflag:s12] =	ssyncset.done $0x0  }
0x43: {  	[sflag:s12] =	ssyncadd.s32 $0xFFFF3800  }
0x44: {  	_ =	swait.ge [sflag:s5], $0xC800  }
0x45: {  	[sflag:s5] =	ssyncset.done $0x0  }
0x46: {  	[sflag:s5] =	ssyncadd.s32 $0xFFFF3800  }
0x47: {  	[tilespmem:s7], [sflag:$0x3] =	stream.indirect.gather [hbm4b:s2+s8], $0x80, s26, s8, $0xb8;
	[tilespmem:$0x1A900] =	vst v63  }
0x48: {  	s0 =	rddreg [dreg:$0x9]  }
0x49: {  	[hbm4b:s0+s3] =	stream.linear.scatter [tilespmem:s9], [sflag:$0x4], $0xC800, $0x38;
	[tilespmem:$0x1A900] =	vst v63  }
0x4a: {  	_ =	swait.ge [sflag:s10], $0xC800  }
0x4b: {  	[sflag:s10] =	ssyncset.done $0x0  }
0x4c: {  	[sflag:s10] =	ssyncadd.s32 $0xFFFF3800  }
0x4d: {  	_ =	swait.ge [sflag:s5], $0xC800  }
0x4e: {  	[sflag:s5] =	ssyncset.done $0x0  }
0x4f: {  	[sflag:s5] =	ssyncadd.s32 $0xFFFF3800  }
0x50: {  	[tilespmem:s9], [sflag:$0x2] =	stream.indirect.gather [hbm4b:s2+s8], $0x80, s25, s8, $0xb8;
	[tilespmem:$0x1A900] =	vst v63  }
0x51: {  	s0 =	rddreg [dreg:$0xa]  }
0x52: {  	[hbm4b:s0+s3] =	stream.linear.scatter [tilespmem:s7], [sflag:$0x4], $0xC800, $0x38;
	[tilespmem:$0x1A900] =	vst v63  }
0x53: {  	_ =	swait.ge [sflag:s12], $0xC800  }
0x54: {  	[sflag:s12] =	ssyncset.done $0x0  }
0x55: {  	[sflag:s12] =	ssyncadd.s32 $0xFFFF3800  }
0x56: {  	_ =	swait.ge [sflag:s5], $0xC800  }
0x57: {  	[sflag:s5] =	ssyncset.done $0x0  }
0x58: {  	[sflag:s5] =	ssyncadd.s32 $0xFFFF3800  }
0x59: {  	[tilespmem:s7], [sflag:$0x3] =	stream.indirect.gather [hbm4b:s2+s8], $0x80, s24, s8, $0xb8;
	[tilespmem:$0x1A900] =	vst v63  }
0x5a: {  	s0 =	rddreg [dreg:$0xb]  }
0x5b: {  	[hbm4b:s0+s3] =	stream.linear.scatter [tilespmem:s9], [sflag:$0x4], $0xC800, $0x38;
	[tilespmem:$0x1A900] =	vst v63  }
0x5c: {  	_ =	swait.ge [sflag:s10], $0xC800  }
0x5d: {  	[sflag:s10] =	ssyncset.done $0x0  }
0x5e: {  	[sflag:s10] =	ssyncadd.s32 $0xFFFF3800  }
0x5f: {  	_ =	swait.ge [sflag:s5], $0xC800  }
0x60: {  	[sflag:s5] =	ssyncset.done $0x0  }
0x61: {  	[sflag:s5] =	ssyncadd.s32 $0xFFFF3800  }
0x62: {  	[tilespmem:s9], [sflag:$0x2] =	stream.indirect.gather [hbm4b:s2+s8], $0x80, s23, s8, $0xb8;
	[tilespmem:$0x1A900] =	vst v63  }
0x63: {  	s0 =	rddreg [dreg:$0xc]  }
0x64: {  	[hbm4b:s0+s3] =	stream.linear.scatter [tilespmem:s7], [sflag:$0x4], $0xC800, $0x38;
	[tilespmem:$0x1A900] =	vst v63  }
0x65: {  	_ =	swait.ge [sflag:s12], $0xC800  }
0x66: {  	[sflag:s12] =	ssyncset.done $0x0  }
0x67: {  	[sflag:s12] =	ssyncadd.s32 $0xFFFF3800  }
0x68: {  	_ =	swait.ge [sflag:s5], $0xC800  }
0x69: {  	[sflag:s5] =	ssyncset.done $0x0  }
0x6a: {  	[sflag:s5] =	ssyncadd.s32 $0xFFFF3800  }
0x6b: {  	[tilespmem:s7], [sflag:$0x3] =	stream.indirect.gather [hbm4b:s2+s8], $0x80, s22, s8, $0xb8;
	[tilespmem:$0x1A900] =	vst v63  }
0x6c: {  	s0 =	rddreg [dreg:$0xd]  }
0x6d: {  	[hbm4b:s0+s3] =	stream.linear.scatter [tilespmem:s9], [sflag:$0x4], $0xC800, $0x38;
	[tilespmem:$0x1A900] =	vst v63  }
0x6e: {  	_ =	swait.ge [sflag:s10], $0xC800  }
0x6f: {  	[sflag:s10] =	ssyncset.done $0x0  }
0x70: {  	[sflag:s10] =	ssyncadd.s32 $0xFFFF3800  }
0x71: {  	_ =	swait.ge [sflag:s5], $0xC800  }
0x72: {  	[sflag:s5] =	ssyncset.done $0x0  }
0x73: {  	[sflag:s5] =	ssyncadd.s32 $0xFFFF3800  }
0x74: {  	[tilespmem:s9], [sflag:$0x2] =	stream.indirect.gather [hbm4b:s2+s8], $0x80, s21, s8, $0xb8;
	[tilespmem:$0x1A900] =	vst v63  }
0x75: {  	s0 =	rddreg [dreg:$0xe]  }
0x76: {  	[hbm4b:s0+s3] =	stream.linear.scatter [tilespmem:s7], [sflag:$0x4], $0xC800, $0x38;
	[tilespmem:$0x1A900] =	vst v63  }
0x77: {  	_ =	swait.ge [sflag:s12], $0xC800  }
0x78: {  	[sflag:s12] =	ssyncset.done $0x0  }
0x79: {  	[sflag:s12] =	ssyncadd.s32 $0xFFFF3800  }
0x7a: {  	_ =	swait.ge [sflag:s5], $0xC800  }
0x7b: {  	[sflag:s5] =	ssyncset.done $0x0  }
0x7c: {  	[sflag:s5] =	ssyncadd.s32 $0xFFFF3800  }
0x7d: {  	[tilespmem:s7], [sflag:$0x3] =	stream.indirect.gather [hbm4b:s2+s8], $0x80, s20, s8, $0xb8;
	[tilespmem:$0x1A900] =	vst v63  }
0x7e: {  	_ = 	snop  }
0x7f: {  	[hbm4b:s16+s3] =	stream.linear.scatter [tilespmem:s9], [sflag:$0x4], $0xC800, $0x38;
	[tilespmem:$0x1A900] =	vst v63  }
0x80: {  	_ =	swait.ge [sflag:s10], $0xC800  }
0x81: {  	[sflag:s10] =	ssyncset.done $0x0  }
0x82: {  	[sflag:s10] =	ssyncadd.s32 $0xFFFF3800  }
0x83: {  	_ =	swait.ge [sflag:s5], $0xC800  }
0x84: {  	[sflag:s5] =	ssyncset.done $0x0  }
0x85: {  	[sflag:s5] =	ssyncadd.s32 $0xFFFF3800  }
0x86: {  	[tilespmem:s9], [sflag:$0x2] =	stream.indirect.gather [hbm4b:s2+s8], $0x80, s19, s8, $0xb8;
	[tilespmem:$0x1A900] =	vst v63  }
0x87: {  	_ = 	snop  }
0x88: {  	[hbm4b:s14+s3] =	stream.linear.scatter [tilespmem:s7], [sflag:$0x4], $0xC800, $0x38;
	[tilespmem:$0x1A900] =	vst v63  }
0x89: {  	_ =	swait.ge [sflag:s12], $0xC800  }
0x8a: {  	[sflag:s12] =	ssyncset.done $0x0  }
0x8b: {  	[sflag:s12] =	ssyncadd.s32 $0xFFFF3800  }
0x8c: {  	_ =	swait.ge [sflag:s5], $0xC800  }
0x8d: {  	[sflag:s5] =	ssyncset.done $0x0  }
0x8e: {  	[sflag:s5] =	ssyncadd.s32 $0xFFFF3800  }
0x8f: {  	[tilespmem:s7], [sflag:$0x3] =	stream.indirect.gather [hbm4b:s2+s8], $0x80, s18, s8, $0xb8;
	[tilespmem:$0x1A900] =	vst v63  }
0x90: {  	_ = 	snop  }
0x91: {  	[hbm4b:s13+s3] =	stream.linear.scatter [tilespmem:s9], [sflag:$0x4], $0xC800, $0x38;
	[tilespmem:$0x1A900] =	vst v63  }
0x92: {  	_ =	swait.ge [sflag:s10], $0xC800  }
0x93: {  	[sflag:s10] =	ssyncset.done $0x0  }
0x94: {  	[sflag:s10] =	ssyncadd.s32 $0xFFFF3800  }
0x95: {  	_ =	swait.ge [sflag:s5], $0xC800  }
0x96: {  	[sflag:s5] =	ssyncset.done $0x0  }
0x97: {  	[sflag:s5] =	ssyncadd.s32 $0xFFFF3800  }
0x98: {  	[tilespmem:s9], [sflag:$0x2] =	stream.indirect.gather [hbm4b:s2+s8], $0x80, s17, s8, $0xb8;
	[tilespmem:$0x1A900] =	vst v63  }
0x99: {  	_ = 	snop  }
0x9a: {  	[hbm4b:s11+s3] =	stream.linear.scatter [tilespmem:s7], [sflag:$0x4], $0xC800, $0x38;
	[tilespmem:$0x1A900] =	vst v63  }
0x9b: {  	_ =	swait.ge [sflag:s12], $0xC800  }
0x9c: {  	[sflag:s12] =	ssyncset.done $0x0  }
0x9d: {  	[sflag:s12] =	ssyncadd.s32 $0xFFFF3800  }
0x9e: {  	_ =	swait.ge [sflag:s5], $0xC800  }
0x9f: {  	[sflag:s5] =	ssyncset.done $0x0  }
0xa0: {  	[sflag:s5] =	ssyncadd.s32 $0xFFFF3800  }
0xa1: {  	[tilespmem:s7], [sflag:$0x3] =	stream.indirect.gather [hbm4b:s2+s8], $0x80, s15, s8, $0xb8;
	[tilespmem:$0x1A900] =	vst v63  }
0xa2: {  	_ = 	snop  }
0xa3: {  	[hbm4b:s6+s3] =	stream.linear.scatter [tilespmem:s9], [sflag:$0x4], $0xC800, $0x38;
	[tilespmem:$0x1A900] =	vst v63  }
0xa4: {  	_ =	swait.ge [sflag:s10], $0xC800  }
0xa5: {  	[sflag:s10] =	ssyncset.done $0x0  }
0xa6: {  	p1 =	sne.s32 s1, $0x1;
	[sflag:s10] =	ssyncadd.s32 $0xFFFF3800  }
0xa7: {  	[hbm4b:s4+s3] =	stream.linear.scatter [tilespmem:s7], [sflag:$0x4], $0xC800, $0x38;
	[tilespmem:$0x1A900] =	vst v63  }
.Ltmp1:
0xa8: {  	_ =	swait.ge [sflag:s5], $0xC800;
	(pc) =	sbr.rel @!p1 .LBB2_3-.Ltmp1, $4  }
0xa9: {  	[sflag:s5] =	ssyncset.done $0x0  }
0xaa: {  	[sflag:s5] =	ssyncadd.s32 $0xFFFF3800  }
0xab: {  	s1 =	sadd.s32 $0xFFFFFFFF, s1;
	_ =	swait.ge [sflag:s5], $0xC800  }
0xac: {  	p0 =	por $0x1, $0x1;
	s0 =	rddreg [dreg:$0x4];
	[sflag:s5] =	ssyncset.done $0x0  }
.LBB2_2:
0xad: {  	[sflag:s5] =	ssyncadd.s32 $0xFFFF3800  }
0xae: {  	[tilespmem:s3], [sflag:$0x1] =	stream.linear.gather [hbm4b:s0+s3], $0x1900, $0x38;
	[tilespmem:$0x1A900] =	vst v63  }
0xaf: {  	_ =	swait.ge [sflag:s31], $0x1900  }
0xb0: {  	[sflag:s31] =	ssyncset.done $0x0  }
0xb1: {  	[sflag:s31] =	ssyncadd.s32 $0xFFFFE700  }
0xb2: {  	[tilespmem:s9], [sflag:$0x2] =	stream.indirect.gather [hbm4b:s2+s8], $0x80, s3, s8, $0xb8;
	[tilespmem:$0x1A900] =	vst v63  }
0xb3: {  	_ =	swait.ge [sflag:s12], $0xC800  }
0xb4: {  	[sflag:s12] =	ssyncset.done $0x0  }
0xb5: {  	[sflag:s12] =	ssyncadd.s32 $0xFFFF3800  }
0xb6: {  	[tilespmem:s7], [sflag:$0x3] =	stream.indirect.gather [hbm4b:s2+s8], $0x80, s8, s8, $0xb8;
	[tilespmem:$0x1A900] =	vst v63  }
0xb7: {  	s0 =	rddreg [dreg:$0x5]  }
0xb8: {  	[hbm4b:s0+s3] =	stream.linear.scatter [tilespmem:s9], [sflag:$0x4], $0xC800, $0x38;
	[tilespmem:$0x1A900] =	vst v63  }
0xb9: {  	_ =	swait.ge [sflag:s10], $0xC800  }
0xba: {  	[sflag:s10] =	ssyncset.done $0x0  }
0xbb: {  	[sflag:s10] =	ssyncadd.s32 $0xFFFF3800  }
0xbc: {  	_ =	swait.ge [sflag:s5], $0xC800  }
0xbd: {  	[sflag:s5] =	ssyncset.done $0x0  }
0xbe: {  	[sflag:s5] =	ssyncadd.s32 $0xFFFF3800  }
0xbf: {  	[tilespmem:s9], [sflag:$0x2] =	stream.indirect.gather [hbm4b:s2+s8], $0x80, s30, s8, $0xb8;
	[tilespmem:$0x1A900] =	vst v63  }
0xc0: {  	s0 =	rddreg [dreg:$0x6]  }
0xc1: {  	[hbm4b:s0+s3] =	stream.linear.scatter [tilespmem:s7], [sflag:$0x4], $0xC800, $0x38;
	[tilespmem:$0x1A900] =	vst v63  }
0xc2: {  	_ =	swait.ge [sflag:s12], $0xC800  }
0xc3: {  	[sflag:s12] =	ssyncset.done $0x0  }
0xc4: {  	[sflag:s12] =	ssyncadd.s32 $0xFFFF3800  }
0xc5: {  	_ =	swait.ge [sflag:s5], $0xC800  }
0xc6: {  	[sflag:s5] =	ssyncset.done $0x0  }
0xc7: {  	[sflag:s5] =	ssyncadd.s32 $0xFFFF3800  }
0xc8: {  	[tilespmem:s7], [sflag:$0x3] =	stream.indirect.gather [hbm4b:s2+s8], $0x80, s29, s8, $0xb8;
	[tilespmem:$0x1A900] =	vst v63  }
0xc9: {  	s0 =	rddreg [dreg:$0x7]  }
0xca: {  	[hbm4b:s0+s3] =	stream.linear.scatter [tilespmem:s9], [sflag:$0x4], $0xC800, $0x38;
	[tilespmem:$0x1A900] =	vst v63  }
0xcb: {  	_ =	swait.ge [sflag:s10], $0xC800  }
0xcc: {  	[sflag:s10] =	ssyncset.done $0x0  }
0xcd: {  	[sflag:s10] =	ssyncadd.s32 $0xFFFF3800  }
0xce: {  	_ =	swait.ge [sflag:s5], $0xC800  }
0xcf: {  	[sflag:s5] =	ssyncset.done $0x0  }
0xd0: {  	[sflag:s5] =	ssyncadd.s32 $0xFFFF3800  }
0xd1: {  	[tilespmem:s9], [sflag:$0x2] =	stream.indirect.gather [hbm4b:s2+s8], $0x80, s28, s8, $0xb8;
	[tilespmem:$0x1A900] =	vst v63  }
0xd2: {  	s0 =	rddreg [dreg:$0x8]  }
0xd3: {  	[hbm4b:s0+s3] =	stream.linear.scatter [tilespmem:s7], [sflag:$0x4], $0xC800, $0x38;
	[tilespmem:$0x1A900] =	vst v63  }
0xd4: {  	_ =	swait.ge [sflag:s12], $0xC800  }
0xd5: {  	[sflag:s12] =	ssyncset.done $0x0  }
0xd6: {  	[sflag:s12] =	ssyncadd.s32 $0xFFFF3800  }
0xd7: {  	_ =	swait.ge [sflag:s5], $0xC800  }
0xd8: {  	[sflag:s5] =	ssyncset.done $0x0  }
0xd9: {  	[sflag:s5] =	ssyncadd.s32 $0xFFFF3800  }
0xda: {  	[tilespmem:s7], [sflag:$0x3] =	stream.indirect.gather [hbm4b:s2+s8], $0x80, s26, s8, $0xb8;
	[tilespmem:$0x1A900] =	vst v63  }
0xdb: {  	s0 =	rddreg [dreg:$0x9]  }
0xdc: {  	[hbm4b:s0+s3] =	stream.linear.scatter [tilespmem:s9], [sflag:$0x4], $0xC800, $0x38;
	[tilespmem:$0x1A900] =	vst v63  }
0xdd: {  	_ =	swait.ge [sflag:s10], $0xC800  }
0xde: {  	[sflag:s10] =	ssyncset.done $0x0  }
0xdf: {  	[sflag:s10] =	ssyncadd.s32 $0xFFFF3800  }
0xe0: {  	_ =	swait.ge [sflag:s5], $0xC800  }
0xe1: {  	[sflag:s5] =	ssyncset.done $0x0  }
0xe2: {  	[sflag:s5] =	ssyncadd.s32 $0xFFFF3800  }
0xe3: {  	[tilespmem:s9], [sflag:$0x2] =	stream.indirect.gather [hbm4b:s2+s8], $0x80, s25, s8, $0xb8;
	[tilespmem:$0x1A900] =	vst v63  }
0xe4: {  	s0 =	rddreg [dreg:$0xa]  }
0xe5: {  	[hbm4b:s0+s3] =	stream.linear.scatter [tilespmem:s7], [sflag:$0x4], $0xC800, $0x38;
	[tilespmem:$0x1A900] =	vst v63  }
0xe6: {  	_ =	swait.ge [sflag:s12], $0xC800  }
0xe7: {  	[sflag:s12] =	ssyncset.done $0x0  }
0xe8: {  	[sflag:s12] =	ssyncadd.s32 $0xFFFF3800  }
0xe9: {  	_ =	swait.ge [sflag:s5], $0xC800  }
0xea: {  	[sflag:s5] =	ssyncset.done $0x0  }
0xeb: {  	[sflag:s5] =	ssyncadd.s32 $0xFFFF3800  }
0xec: {  	[tilespmem:s7], [sflag:$0x3] =	stream.indirect.gather [hbm4b:s2+s8], $0x80, s24, s8, $0xb8;
	[tilespmem:$0x1A900] =	vst v63  }
0xed: {  	s0 =	rddreg [dreg:$0xb]  }
0xee: {  	[hbm4b:s0+s3] =	stream.linear.scatter [tilespmem:s9], [sflag:$0x4], $0xC800, $0x38;
	[tilespmem:$0x1A900] =	vst v63  }
0xef: {  	_ =	swait.ge [sflag:s10], $0xC800  }
0xf0: {  	[sflag:s10] =	ssyncset.done $0x0  }
0xf1: {  	[sflag:s10] =	ssyncadd.s32 $0xFFFF3800  }
0xf2: {  	_ =	swait.ge [sflag:s5], $0xC800  }
0xf3: {  	[sflag:s5] =	ssyncset.done $0x0  }
0xf4: {  	[sflag:s5] =	ssyncadd.s32 $0xFFFF3800  }
0xf5: {  	[tilespmem:s9], [sflag:$0x2] =	stream.indirect.gather [hbm4b:s2+s8], $0x80, s23, s8, $0xb8;
	[tilespmem:$0x1A900] =	vst v63  }
0xf6: {  	s0 =	rddreg [dreg:$0xc]  }
0xf7: {  	[hbm4b:s0+s3] =	stream.linear.scatter [tilespmem:s7], [sflag:$0x4], $0xC800, $0x38;
	[tilespmem:$0x1A900] =	vst v63  }
0xf8: {  	_ =	swait.ge [sflag:s12], $0xC800  }
0xf9: {  	[sflag:s12] =	ssyncset.done $0x0  }
0xfa: {  	[sflag:s12] =	ssyncadd.s32 $0xFFFF3800  }
0xfb: {  	_ =	swait.ge [sflag:s5], $0xC800  }
0xfc: {  	[sflag:s5] =	ssyncset.done $0x0  }
0xfd: {  	[sflag:s5] =	ssyncadd.s32 $0xFFFF3800  }
0xfe: {  	[tilespmem:s7], [sflag:$0x3] =	stream.indirect.gather [hbm4b:s2+s8], $0x80, s22, s8, $0xb8;
	[tilespmem:$0x1A900] =	vst v63  }
0xff: {  	s0 =	rddreg [dreg:$0xd]  }
0x100: {  	[hbm4b:s0+s3] =	stream.linear.scatter [tilespmem:s9], [sflag:$0x4], $0xC800, $0x38;
	[tilespmem:$0x1A900] =	vst v63  }
0x101: {  	_ =	swait.ge [sflag:s10], $0xC800  }
0x102: {  	[sflag:s10] =	ssyncset.done $0x0  }
0x103: {  	[sflag:s10] =	ssyncadd.s32 $0xFFFF3800  }
0x104: {  	_ =	swait.ge [sflag:s5], $0xC800  }
0x105: {  	[sflag:s5] =	ssyncset.done $0x0  }
0x106: {  	[sflag:s5] =	ssyncadd.s32 $0xFFFF3800  }
0x107: {  	[tilespmem:s9], [sflag:$0x2] =	stream.indirect.gather [hbm4b:s2+s8], $0x80, s21, s8, $0xb8;
	[tilespmem:$0x1A900] =	vst v63  }
0x108: {  	s0 =	rddreg [dreg:$0xe]  }
0x109: {  	[hbm4b:s0+s3] =	stream.linear.scatter [tilespmem:s7], [sflag:$0x4], $0xC800, $0x38;
	[tilespmem:$0x1A900] =	vst v63  }
0x10a: {  	_ =	swait.ge [sflag:s12], $0xC800  }
0x10b: {  	[sflag:s12] =	ssyncset.done $0x0  }
0x10c: {  	[sflag:s12] =	ssyncadd.s32 $0xFFFF3800  }
0x10d: {  	_ =	swait.ge [sflag:s5], $0xC800  }
0x10e: {  	[sflag:s5] =	ssyncset.done $0x0  }
0x10f: {  	[sflag:s5] =	ssyncadd.s32 $0xFFFF3800  }
0x110: {  	[tilespmem:s7], [sflag:$0x3] =	stream.indirect.gather [hbm4b:s2+s8], $0x80, s20, s8, $0xb8;
	[tilespmem:$0x1A900] =	vst v63  }
0x111: {  	_ = 	snop  }
0x112: {  	[hbm4b:s16+s3] =	stream.linear.scatter [tilespmem:s9], [sflag:$0x4], $0xC800, $0x38;
	[tilespmem:$0x1A900] =	vst v63  }
0x113: {  	_ =	swait.ge [sflag:s10], $0xC800  }
0x114: {  	[sflag:s10] =	ssyncset.done $0x0  }
0x115: {  	[sflag:s10] =	ssyncadd.s32 $0xFFFF3800  }
0x116: {  	_ =	swait.ge [sflag:s5], $0xC800  }
0x117: {  	[sflag:s5] =	ssyncset.done $0x0  }
0x118: {  	[sflag:s5] =	ssyncadd.s32 $0xFFFF3800  }
0x119: {  	[tilespmem:s9], [sflag:$0x2] =	stream.indirect.gather [hbm4b:s2+s8], $0x80, s19, s8, $0xb8;
	[tilespmem:$0x1A900] =	vst v63  }
0x11a: {  	_ = 	snop  }
0x11b: {  	[hbm4b:s14+s3] =	stream.linear.scatter [tilespmem:s7], [sflag:$0x4], $0xC800, $0x38;
	[tilespmem:$0x1A900] =	vst v63  }
0x11c: {  	_ =	swait.ge [sflag:s12], $0xC800  }
0x11d: {  	[sflag:s12] =	ssyncset.done $0x0  }
0x11e: {  	[sflag:s12] =	ssyncadd.s32 $0xFFFF3800  }
0x11f: {  	_ =	swait.ge [sflag:s5], $0xC800  }
0x120: {  	[sflag:s5] =	ssyncset.done $0x0  }
0x121: {  	[sflag:s5] =	ssyncadd.s32 $0xFFFF3800  }
0x122: {  	[tilespmem:s7], [sflag:$0x3] =	stream.indirect.gather [hbm4b:s2+s8], $0x80, s18, s8, $0xb8;
	[tilespmem:$0x1A900] =	vst v63  }
0x123: {  	_ = 	snop  }
0x124: {  	[hbm4b:s13+s3] =	stream.linear.scatter [tilespmem:s9], [sflag:$0x4], $0xC800, $0x38;
	[tilespmem:$0x1A900] =	vst v63  }
0x125: {  	_ =	swait.ge [sflag:s10], $0xC800  }
0x126: {  	[sflag:s10] =	ssyncset.done $0x0  }
0x127: {  	[sflag:s10] =	ssyncadd.s32 $0xFFFF3800  }
0x128: {  	_ =	swait.ge [sflag:s5], $0xC800  }
0x129: {  	[sflag:s5] =	ssyncset.done $0x0  }
0x12a: {  	[sflag:s5] =	ssyncadd.s32 $0xFFFF3800  }
0x12b: {  	[tilespmem:s9], [sflag:$0x2] =	stream.indirect.gather [hbm4b:s2+s8], $0x80, s17, s8, $0xb8;
	[tilespmem:$0x1A900] =	vst v63  }
0x12c: {  	_ = 	snop  }
0x12d: {  	[hbm4b:s11+s3] =	stream.linear.scatter [tilespmem:s7], [sflag:$0x4], $0xC800, $0x38;
	[tilespmem:$0x1A900] =	vst v63  }
0x12e: {  	_ =	swait.ge [sflag:s12], $0xC800  }
0x12f: {  	[sflag:s12] =	ssyncset.done $0x0  }
0x130: {  	[sflag:s12] =	ssyncadd.s32 $0xFFFF3800  }
0x131: {  	_ =	swait.ge [sflag:s5], $0xC800  }
0x132: {  	[sflag:s5] =	ssyncset.done $0x0  }
0x133: {  	[sflag:s5] =	ssyncadd.s32 $0xFFFF3800  }
0x134: {  	[tilespmem:s7], [sflag:$0x3] =	stream.indirect.gather [hbm4b:s2+s8], $0x80, s15, s8, $0xb8;
	[tilespmem:$0x1A900] =	vst v63  }
0x135: {  	_ = 	snop  }
0x136: {  	[hbm4b:s6+s3] =	stream.linear.scatter [tilespmem:s9], [sflag:$0x4], $0xC800, $0x38;
	[tilespmem:$0x1A900] =	vst v63  }
0x137: {  	_ =	swait.ge [sflag:s10], $0xC800  }
0x138: {  	[sflag:s10] =	ssyncset.done $0x0  }
0x139: {  	p1 =	sne.s32 s1, $0x1;
	[sflag:s10] =	ssyncadd.s32 $0xFFFF3800  }
0x13a: {  	[hbm4b:s4+s3] =	stream.linear.scatter [tilespmem:s7], [sflag:$0x4], $0xC800, $0x38;
	[tilespmem:$0x1A900] =	vst v63  }
.Ltmp2:
0x13b: {  	_ =	swait.ge [sflag:s5], $0xC800;
	(pc) =	sbr.rel @p1 .LBB2_2-.Ltmp2, $4  }
0x13c: {  	[sflag:s5] =	ssyncset.done $0x0  }
0x13d: {  	[sflag:s5] =	ssyncadd.s32 $0xFFFF3800  }
0x13e: {  	_ =	swait.ge [sflag:s5], $0xC800  }
0x13f: {  	s1 =	sadd.s32 $0xFFFFFFFF, s1;
	s0 =	rddreg [dreg:$0x4];
	[sflag:s5] =	ssyncset.done $0x0  }
.LBB2_3:
0x140: {  	[sflag:s5] =	ssyncadd.s32 @p0 $0xFFFF3800  }
0x141: {  	[tilespmem:s3], [sflag:$0x1] =	stream.linear.gather [hbm4b:s0+s3], $0x1900, $0x38;
	[tilespmem:$0x1A900] =	vst v63  }
0x142: {  	_ =	swait.ge [sflag:s31], $0x1900  }
0x143: {  	[sflag:s31] =	ssyncset.done $0x0  }
0x144: {  	[sflag:s31] =	ssyncadd.s32 $0xFFFFE700  }
0x145: {  	[tilespmem:s9], [sflag:$0x2] =	stream.indirect.gather [hbm4b:s2+s8], $0x80, s3, s8, $0xb8;
	[tilespmem:$0x1A900] =	vst v63  }
0x146: {  	_ =	swait.ge [sflag:s12], $0xC800  }
0x147: {  	[sflag:s12] =	ssyncset.done $0x0  }
0x148: {  	[sflag:s12] =	ssyncadd.s32 $0xFFFF3800  }
0x149: {  	[tilespmem:s7], [sflag:$0x3] =	stream.indirect.gather [hbm4b:s2+s8], $0x80, s8, s8, $0xb8;
	[tilespmem:$0x1A900] =	vst v63  }
0x14a: {  	s1 =	rddreg [dreg:$0x5]  }
0x14b: {  	[hbm4b:s1+s3] =	stream.linear.scatter [tilespmem:s9], [sflag:$0x4], $0xC800, $0x38;
	[tilespmem:$0x1A900] =	vst v63  }
0x14c: {  	_ =	swait.ge [sflag:s10], $0xC800  }
0x14d: {  	[sflag:s10] =	ssyncset.done $0x0  }
0x14e: {  	[sflag:s10] =	ssyncadd.s32 $0xFFFF3800  }
0x14f: {  	_ =	swait.ge [sflag:s5], $0xC800  }
0x150: {  	[sflag:s5] =	ssyncset.done $0x0  }
0x151: {  	[sflag:s5] =	ssyncadd.s32 $0xFFFF3800  }
0x152: {  	[tilespmem:s9], [sflag:$0x2] =	stream.indirect.gather [hbm4b:s2+s8], $0x80, s30, s8, $0xb8;
	[tilespmem:$0x1A900] =	vst v63  }
0x153: {  	s31 =	rddreg [dreg:$0x6]  }
0x154: {  	[hbm4b:s31+s3] =	stream.linear.scatter [tilespmem:s7], [sflag:$0x4], $0xC800, $0x38;
	[tilespmem:$0x1A900] =	vst v63  }
0x155: {  	_ =	swait.ge [sflag:s12], $0xC800  }
0x156: {  	[sflag:s12] =	ssyncset.done $0x0  }
0x157: {  	[sflag:s12] =	ssyncadd.s32 $0xFFFF3800  }
0x158: {  	_ =	swait.ge [sflag:s5], $0xC800  }
0x159: {  	[sflag:s5] =	ssyncset.done $0x0  }
0x15a: {  	[sflag:s5] =	ssyncadd.s32 $0xFFFF3800  }
0x15b: {  	[tilespmem:s7], [sflag:$0x3] =	stream.indirect.gather [hbm4b:s2+s8], $0x80, s29, s8, $0xb8;
	[tilespmem:$0x1A900] =	vst v63  }
0x15c: {  	s1 =	rddreg [dreg:$0x7]  }
0x15d: {  	[hbm4b:s1+s3] =	stream.linear.scatter [tilespmem:s9], [sflag:$0x4], $0xC800, $0x38;
	[tilespmem:$0x1A900] =	vst v63  }
0x15e: {  	_ =	swait.ge [sflag:s10], $0xC800  }
0x15f: {  	[sflag:s10] =	ssyncset.done $0x0  }
0x160: {  	[sflag:s10] =	ssyncadd.s32 $0xFFFF3800  }
0x161: {  	_ =	swait.ge [sflag:s5], $0xC800  }
0x162: {  	[sflag:s5] =	ssyncset.done $0x0  }
0x163: {  	[sflag:s5] =	ssyncadd.s32 $0xFFFF3800  }
0x164: {  	[tilespmem:s9], [sflag:$0x2] =	stream.indirect.gather [hbm4b:s2+s8], $0x80, s28, s8, $0xb8;
	[tilespmem:$0x1A900] =	vst v63  }
0x165: {  	s30 =	rddreg [dreg:$0x8]  }
0x166: {  	[hbm4b:s30+s3] =	stream.linear.scatter [tilespmem:s7], [sflag:$0x4], $0xC800, $0x38;
	[tilespmem:$0x1A900] =	vst v63  }
0x167: {  	_ =	swait.ge [sflag:s12], $0xC800  }
0x168: {  	[sflag:s12] =	ssyncset.done $0x0  }
0x169: {  	[sflag:s12] =	ssyncadd.s32 $0xFFFF3800  }
0x16a: {  	_ =	swait.ge [sflag:s5], $0xC800  }
0x16b: {  	[sflag:s5] =	ssyncset.done $0x0  }
0x16c: {  	[sflag:s5] =	ssyncadd.s32 $0xFFFF3800  }
0x16d: {  	[tilespmem:s7], [sflag:$0x3] =	stream.indirect.gather [hbm4b:s2+s8], $0x80, s26, s8, $0xb8;
	[tilespmem:$0x1A900] =	vst v63  }
0x16e: {  	s31 =	rddreg [dreg:$0x9]  }
0x16f: {  	[hbm4b:s31+s3] =	stream.linear.scatter [tilespmem:s9], [sflag:$0x4], $0xC800, $0x38;
	[tilespmem:$0x1A900] =	vst v63  }
0x170: {  	_ =	swait.ge [sflag:s10], $0xC800  }
0x171: {  	[sflag:s10] =	ssyncset.done $0x0  }
0x172: {  	[sflag:s10] =	ssyncadd.s32 $0xFFFF3800  }
0x173: {  	_ =	swait.ge [sflag:s5], $0xC800  }
0x174: {  	[sflag:s5] =	ssyncset.done $0x0  }
0x175: {  	[sflag:s5] =	ssyncadd.s32 $0xFFFF3800  }
0x176: {  	[tilespmem:s9], [sflag:$0x2] =	stream.indirect.gather [hbm4b:s2+s8], $0x80, s25, s8, $0xb8;
	[tilespmem:$0x1A900] =	vst v63  }
0x177: {  	s1 =	rddreg [dreg:$0xa]  }
0x178: {  	[hbm4b:s1+s3] =	stream.linear.scatter [tilespmem:s7], [sflag:$0x4], $0xC800, $0x38;
	[tilespmem:$0x1A900] =	vst v63  }
0x179: {  	_ =	swait.ge [sflag:s12], $0xC800  }
0x17a: {  	[sflag:s12] =	ssyncset.done $0x0  }
0x17b: {  	[sflag:s12] =	ssyncadd.s32 $0xFFFF3800  }
0x17c: {  	_ =	swait.ge [sflag:s5], $0xC800  }
0x17d: {  	[sflag:s5] =	ssyncset.done $0x0  }
0x17e: {  	[sflag:s5] =	ssyncadd.s32 $0xFFFF3800  }
0x17f: {  	[tilespmem:s7], [sflag:$0x3] =	stream.indirect.gather [hbm4b:s2+s8], $0x80, s24, s8, $0xb8;
	[tilespmem:$0x1A900] =	vst v63  }
0x180: {  	s26 =	rddreg [dreg:$0xb]  }
0x181: {  	[hbm4b:s26+s3] =	stream.linear.scatter [tilespmem:s9], [sflag:$0x4], $0xC800, $0x38;
	[tilespmem:$0x1A900] =	vst v63  }
0x182: {  	_ =	swait.ge [sflag:s10], $0xC800  }
0x183: {  	[sflag:s10] =	ssyncset.done $0x0  }
0x184: {  	[sflag:s10] =	ssyncadd.s32 $0xFFFF3800  }
0x185: {  	_ =	swait.ge [sflag:s5], $0xC800  }
0x186: {  	[sflag:s5] =	ssyncset.done $0x0  }
0x187: {  	[sflag:s5] =	ssyncadd.s32 $0xFFFF3800  }
0x188: {  	[tilespmem:s9], [sflag:$0x2] =	stream.indirect.gather [hbm4b:s2+s8], $0x80, s23, s8, $0xb8;
	[tilespmem:$0x1A900] =	vst v63  }
0x189: {  	s28 =	rddreg [dreg:$0xc]  }
0x18a: {  	[hbm4b:s28+s3] =	stream.linear.scatter [tilespmem:s7], [sflag:$0x4], $0xC800, $0x38;
	[tilespmem:$0x1A900] =	vst v63  }
0x18b: {  	_ =	swait.ge [sflag:s12], $0xC800  }
0x18c: {  	[sflag:s12] =	ssyncset.done $0x0  }
0x18d: {  	[sflag:s12] =	ssyncadd.s32 $0xFFFF3800  }
0x18e: {  	_ =	swait.ge [sflag:s5], $0xC800  }
0x18f: {  	[sflag:s5] =	ssyncset.done $0x0  }
0x190: {  	[sflag:s5] =	ssyncadd.s32 $0xFFFF3800  }
0x191: {  	[tilespmem:s7], [sflag:$0x3] =	stream.indirect.gather [hbm4b:s2+s8], $0x80, s22, s8, $0xb8;
	[tilespmem:$0x1A900] =	vst v63  }
0x192: {  	s29 =	rddreg [dreg:$0xd]  }
0x193: {  	[hbm4b:s29+s3] =	stream.linear.scatter [tilespmem:s9], [sflag:$0x4], $0xC800, $0x38;
	[tilespmem:$0x1A900] =	vst v63  }
0x194: {  	_ =	swait.ge [sflag:s10], $0xC800  }
0x195: {  	[sflag:s10] =	ssyncset.done $0x0  }
0x196: {  	[sflag:s10] =	ssyncadd.s32 $0xFFFF3800  }
0x197: {  	_ =	swait.ge [sflag:s5], $0xC800  }
0x198: {  	[sflag:s5] =	ssyncset.done $0x0  }
0x199: {  	[sflag:s5] =	ssyncadd.s32 $0xFFFF3800  }
0x19a: {  	[tilespmem:s9], [sflag:$0x2] =	stream.indirect.gather [hbm4b:s2+s8], $0x80, s21, s8, $0xb8;
	[tilespmem:$0x1A900] =	vst v63  }
0x19b: {  	s30 =	rddreg [dreg:$0xe]  }
0x19c: {  	[hbm4b:s30+s3] =	stream.linear.scatter [tilespmem:s7], [sflag:$0x4], $0xC800, $0x38;
	[tilespmem:$0x1A900] =	vst v63  }
0x19d: {  	_ =	swait.ge [sflag:s12], $0xC800  }
0x19e: {  	[sflag:s12] =	ssyncset.done $0x0  }
0x19f: {  	[sflag:s12] =	ssyncadd.s32 $0xFFFF3800  }
0x1a0: {  	_ =	swait.ge [sflag:s5], $0xC800  }
0x1a1: {  	[sflag:s5] =	ssyncset.done $0x0  }
0x1a2: {  	[sflag:s5] =	ssyncadd.s32 $0xFFFF3800  }
0x1a3: {  	[tilespmem:s7], [sflag:$0x3] =	stream.indirect.gather [hbm4b:s2+s8], $0x80, s20, s8, $0xb8;
	[tilespmem:$0x1A900] =	vst v63  }
0x1a4: {  	_ = 	snop  }
0x1a5: {  	[hbm4b:s16+s3] =	stream.linear.scatter [tilespmem:s9], [sflag:$0x4], $0xC800, $0x38;
	[tilespmem:$0x1A900] =	vst v63  }
0x1a6: {  	_ =	swait.ge [sflag:s10], $0xC800  }
0x1a7: {  	[sflag:s10] =	ssyncset.done $0x0  }
0x1a8: {  	[sflag:s10] =	ssyncadd.s32 $0xFFFF3800  }
0x1a9: {  	_ =	swait.ge [sflag:s5], $0xC800  }
0x1aa: {  	[sflag:s5] =	ssyncset.done $0x0  }
0x1ab: {  	[sflag:s5] =	ssyncadd.s32 $0xFFFF3800  }
0x1ac: {  	[tilespmem:s9], [sflag:$0x2] =	stream.indirect.gather [hbm4b:s2+s8], $0x80, s19, s8, $0xb8;
	[tilespmem:$0x1A900] =	vst v63  }
0x1ad: {  	_ = 	snop  }
0x1ae: {  	[hbm4b:s14+s3] =	stream.linear.scatter [tilespmem:s7], [sflag:$0x4], $0xC800, $0x38;
	[tilespmem:$0x1A900] =	vst v63  }
0x1af: {  	_ =	swait.ge [sflag:s12], $0xC800  }
0x1b0: {  	[sflag:s12] =	ssyncset.done $0x0  }
0x1b1: {  	[sflag:s12] =	ssyncadd.s32 $0xFFFF3800  }
0x1b2: {  	_ =	swait.ge [sflag:s5], $0xC800  }
0x1b3: {  	[sflag:s5] =	ssyncset.done $0x0  }
0x1b4: {  	[sflag:s5] =	ssyncadd.s32 $0xFFFF3800  }
0x1b5: {  	[tilespmem:s7], [sflag:$0x3] =	stream.indirect.gather [hbm4b:s2+s8], $0x80, s18, s8, $0xb8;
	[tilespmem:$0x1A900] =	vst v63  }
0x1b6: {  	_ = 	snop  }
0x1b7: {  	[hbm4b:s13+s3] =	stream.linear.scatter [tilespmem:s9], [sflag:$0x4], $0xC800, $0x38;
	[tilespmem:$0x1A900] =	vst v63  }
0x1b8: {  	_ =	swait.ge [sflag:s10], $0xC800  }
0x1b9: {  	[sflag:s10] =	ssyncset.done $0x0  }
0x1ba: {  	[sflag:s10] =	ssyncadd.s32 $0xFFFF3800  }
0x1bb: {  	_ =	swait.ge [sflag:s5], $0xC800  }
0x1bc: {  	[sflag:s5] =	ssyncset.done $0x0  }
0x1bd: {  	[sflag:s5] =	ssyncadd.s32 $0xFFFF3800  }
0x1be: {  	[tilespmem:s9], [sflag:$0x2] =	stream.indirect.gather [hbm4b:s2+s8], $0x80, s17, s8, $0xb8;
	[tilespmem:$0x1A900] =	vst v63  }
0x1bf: {  	_ = 	snop  }
0x1c0: {  	[hbm4b:s11+s3] =	stream.linear.scatter [tilespmem:s7], [sflag:$0x4], $0xC800, $0x38;
	[tilespmem:$0x1A900] =	vst v63  }
0x1c1: {  	_ =	swait.ge [sflag:s12], $0xC800  }
0x1c2: {  	[sflag:s12] =	ssyncset.done $0x0  }
0x1c3: {  	[sflag:s12] =	ssyncadd.s32 $0xFFFF3800  }
0x1c4: {  	_ =	swait.ge [sflag:s5], $0xC800  }
0x1c5: {  	[sflag:s5] =	ssyncset.done $0x0  }
0x1c6: {  	[sflag:s5] =	ssyncadd.s32 $0xFFFF3800  }
0x1c7: {  	[tilespmem:s7], [sflag:$0x3] =	stream.indirect.gather [hbm4b:s2+s8], $0x80, s15, s8, $0xb8;
	[tilespmem:$0x1A900] =	vst v63  }
0x1c8: {  	_ = 	snop  }
0x1c9: {  	[hbm4b:s6+s3] =	stream.linear.scatter [tilespmem:s9], [sflag:$0x4], $0xC800, $0x38;
	[tilespmem:$0x1A900] =	vst v63  }
0x1ca: {  	_ =	swait.ge [sflag:s10], $0xC800  }
0x1cb: {  	[sflag:s10] =	ssyncset.done $0x0  }
0x1cc: {  	[sflag:s10] =	ssyncadd.s32 $0xFFFF3800  }
0x1cd: {  	[hbm4b:s4+s3] =	stream.linear.scatter [tilespmem:s7], [sflag:$0x4], $0xC800, $0x38;
	[tilespmem:$0x1A900] =	vst v63  }
0x1ce: {  	_ =	swait.ge [sflag:s5], $0xC800  }
0x1cf: {  	[sflag:s5] =	ssyncset.done $0x0  }
0x1d0: {  	[sflag:s5] =	ssyncadd.s32 $0xFFFF3800  }
0x1d1: {  	_ =	swait.ge [sflag:s5], $0xC800  }
0x1d2: {  	[sflag:s5] =	ssyncset.done $0x0  }
0x1d3: {  	[sflag:s5] =	ssyncadd.s32 $0xFFFF3800  }
0x1d4: {  	_ =	sfence.sel $0x180000  }
0x1d5: {  	[bflag:$0x0] =	sbarrier.arrive $0xFFFF  }
0x1d6: {  	_ =	strace $0x90000047  }
0x1d7: {  	s31 =	stileid.u32;
	[bflag:$0x2] =	sbarrier.arrive $0xFFFF  }
0x1d8: {  	p0 =	sne.s32 s31, $0x0;
	s0 =	rddreg [dreg:$0x3]  }
0x1d9: {  	s0 =	sadd.s32 @!p0 $0x100000, s0  }
0x1da: {  	[sflag:s0] =	ssyncadd.tile.s32 @!p0 $0x1;
	_ =	shalt  }
.Lfunc_end2:
_tile_overlayer_lowered:
.L_overlay_start_2:
0x1db: {  	(tag) =	ssettag $0x2  }
0x1dc: {  	s0 =	rddreg [dreg:$0x0];
	s2 =	stileid.u32  }
0x1dd: {  	s1 =	rddreg [dreg:$0x1];
	p0 =	sne.s32 s2, $0x0  }
0x1de: {  	s3 =	rddreg [dreg:$0x2];
	[bflag:$0x3] =	sbarrier.arrive $0xFFFF;
	s2 =	simm.s32 @!p0 $0x1C05  }
0x1df: {  	[timem:s3], [sflag:s2] =	dma.local @!p0 [hbm:s0], s1  }
0x1e0: {  	s0 =	simm.s32 @!p0 $0x5  }
0x1e1: {  	_ =	swait.ge @!p0 [sflag:s0], s1  }
0x1e2: {  	s1 =	ssub.s32 @!p0 $0x0, s1;
	[sflag:s0] =	ssyncset.done @!p0 $0x0  }
0x1e3: {  	[sflag:s0] =	ssyncadd.s32 @!p0 s1  }
0x1e4: {  	[bflag:$0x3] =	sbarrier.arrive $0xFFFF  }
0x1e5: {  	_ =	shalt  }

</sc_bundles>
